<compile_context>
chip_gen: v7x
topology: tpu7x:2x2x1
jax: 0.10.2.dev20260603
libtpu: 0.0.44.dev20260713+nightly
codegen_flags: <defaults>
</compile_context>

<pallas_src>
import functools

import jax
import jax.numpy as jnp
from jax import lax
from jax.experimental import pallas as pl
from jax.experimental.pallas import tpu as pltpu
from jax.experimental.pallas import tpu_sc as plsc

_N = 10000
_E = 320000
_D = 128
_NRE = 10001
_NRE_PAD = 10240

_NC = 2
_NS = 16
_NW = _NC * _NS
_EPT = _E // _NW
_K = 40
_NCHUNK = _EPT // _K
_RPT = _N // _NS

_DOT = functools.partial(
    lax.dot_general,
    dimension_numbers=(((1,), (1,)), ((), ())),
    preferred_element_type=jnp.float32,
    precision=lax.Precision.HIGHEST,
)



def _hidden_proj_body(x_ref, w_ref, o_ref):
    x = x_ref[...]
    o_ref[...] = jnp.concatenate([_DOT(x, w_ref[...]), x], axis=1)


def _rel_proj_body(x_ref, wr_ref, wq_ref, bq_ref, b2_ref, bq_out_ref):
    x = x_ref[...]
    b2_ref[...] = jnp.concatenate([_DOT(x, wr_ref[...]), x], axis=1)
    bq_out_ref[...] = _DOT(x, wq_ref[...]) + bq_ref[...]


def _final_body(p_ref, w_ref, o_ref):
    o_ref[...] = _DOT(p_ref[0] + p_ref[1], w_ref[...])



def _sc_edge_body(a2_hbm, b2_hbm, bq_hbm, n_hbm, r_hbm, b_hbm, t_hbm,
                  q_hbm, wal_hbm, wb_hbm, out_hbm,
                  ha, hb, hc, msg, nb, rb, bb, tb, cb, walv, wbv, red,
                  agg, sem, sem_q):
    c = lax.axis_index("c")
    s = lax.axis_index("s")
    wid = c * _NS + s

    pltpu.sync_copy(wal_hbm, walv)
    pltpu.sync_copy(wb_hbm, wbv)

    def _zero(e, carry):
        for j in range(8):
            msg[e, pl.ds(16 * j, 16)] = jnp.zeros((16,), jnp.float32)
        return carry
    lax.fori_loop(0, _K, _zero, 0)
    red[pl.ds(16, 16)] = jnp.zeros((16,), jnp.float32)
    zbase = pl.multiple_of(s * 624, 8)
    for off in tuple(range(0, 624 - _K + 1, _K)) + (624 - _K,):
        pltpu.sync_copy(msg, agg.at[pl.ds(zbase + off, _K)])

    @pl.when(s == _NS - 1)
    def _zero_tail():
        pltpu.sync_copy(msg, agg.at[pl.ds(zbase + 640 - _K, _K)])

    plsc.subcore_barrier()

    ebase = wid * _EPT

    def _chunk(ci, carry):
        off = pl.multiple_of(ebase + ci * _K, 8)
        pltpu.sync_copy(n_hbm.at[pl.ds(off, _K)], nb)
        pltpu.sync_copy(r_hbm.at[pl.ds(off, _K)], rb)
        pltpu.sync_copy(b_hbm.at[pl.ds(off, _K)], bb)
        pltpu.sync_copy(t_hbm.at[pl.ds(off, _K)], tb)
        cp_q = pltpu.async_copy(q_hbm.at[bb], cb, sem_q)
        cp_a = pltpu.async_copy(a2_hbm.at[nb], ha, sem)
        cp_b = pltpu.async_copy(b2_hbm.at[rb], hb, sem)
        cp_q.wait()
        cp_c = pltpu.async_copy(bq_hbm.at[cb], hc, sem)
        cp_a.wait()
        cp_b.wait()
        cp_c.wait()

        wal = [walv[j] for j in range(8)]
        wb = wbv[...]

        def _edge(e, ecarry):
            acc = jnp.zeros((16,), jnp.float32)
            for j in range(8):
                pre = jnp.maximum(ha[e, pl.ds(16 * j, 16)]
                                  + hb[e, pl.ds(16 * j, 16)]
                                  + hc[e, pl.ds(16 * j, 16)], 0.0)
                acc = acc + pre * wal[j]
            red[pl.ds(0, 16)] = acc
            t = acc + red[pl.ds(8, 16)]
            ssum = t[0]
            for j in range(1, 8):
                ssum = ssum + t[j]
            sv = jnp.full((16,), ssum, jnp.float32) + wb
            alpha = 1.0 / (1.0 + jnp.exp(-sv))
            for j in range(8):
                msg[e, pl.ds(16 * j, 16)] = (
                    ha[e, pl.ds(128 + 16 * j, 16)]
                    + hb[e, pl.ds(128 + 16 * j, 16)]) * alpha
            return ecarry

        lax.fori_loop(0, _K, _edge, 0)
        pltpu.sync_copy(msg, agg.at[tb], add=True)
        return carry

    lax.fori_loop(0, _NCHUNK, _chunk, 0)

    plsc.subcore_barrier()
    rbase = pl.multiple_of(s * 624, 8)

    @pl.when(s < _NS - 1)
    def _write_main():
        pltpu.sync_copy(agg.at[pl.ds(rbase, 624)],
                        out_hbm.at[c, pl.ds(rbase, 624)])

    @pl.when(s == _NS - 1)
    def _write_tail():
        pltpu.sync_copy(agg.at[pl.ds(rbase, 640)],
                        out_hbm.at[c, pl.ds(rbase, 640)])


def kernel(query_rel, temp_neighbors_facts, tail_nodes, tail_index, hidden,
           ent_emds, rel_emds, time_encoder, line_time,
           rel_emd_table, Ws_W, Wr_W, Wqr_W, Wqr_b, walpha_W, walpha_b, Wh_W):
    del tail_nodes, ent_emds, rel_emds, time_encoder, line_time

    n_idx = temp_neighbors_facts[:, 1]
    r_idx = temp_neighbors_facts[:, 3] + 1
    b_idx = temp_neighbors_facts[:, 0]
    qidx = query_rel + 1

    rel_pad = jnp.pad(rel_emd_table, ((0, _NRE_PAD - _NRE), (0, 0)))

    a2 = pl.pallas_call(
        _hidden_proj_body,
        grid=(25,),
        in_specs=[
            pl.BlockSpec((400, _D), lambda i: (i, 0)),
            pl.BlockSpec((_D, _D), lambda i: (0, 0)),
        ],
        out_specs=pl.BlockSpec((400, 2 * _D), lambda i: (i, 0)),
        out_shape=jax.ShapeDtypeStruct((_N, 2 * _D), jnp.float32),
    )(hidden, Ws_W)

    b2, bq = pl.pallas_call(
        _rel_proj_body,
        grid=(20,),
        in_specs=[
            pl.BlockSpec((512, _D), lambda i: (i, 0)),
            pl.BlockSpec((_D, _D), lambda i: (0, 0)),
            pl.BlockSpec((_D, _D), lambda i: (0, 0)),
            pl.BlockSpec((1, _D), lambda i: (0, 0)),
        ],
        out_specs=[
            pl.BlockSpec((512, 2 * _D), lambda i: (i, 0)),
            pl.BlockSpec((512, _D), lambda i: (i, 0)),
        ],
        out_shape=[
            jax.ShapeDtypeStruct((_NRE_PAD, 2 * _D), jnp.float32),
            jax.ShapeDtypeStruct((_NRE_PAD, _D), jnp.float32),
        ],
    )(rel_pad, Wr_W, Wqr_W, Wqr_b.reshape(1, _D))

    mesh = plsc.VectorSubcoreMesh(core_axis_name="c", subcore_axis_name="s")
    edge_fn = pl.kernel(
        _sc_edge_body,
        mesh=mesh,
        out_type=jax.ShapeDtypeStruct((_NC, _N, _D), jnp.float32),
        scratch_types=[
            pltpu.VMEM((_K, 2 * _D), jnp.float32),
            pltpu.VMEM((_K, 2 * _D), jnp.float32),
            pltpu.VMEM((_K, _D), jnp.float32),
            pltpu.VMEM((_K, _D), jnp.float32),
            pltpu.VMEM((_K,), jnp.int32),
            pltpu.VMEM((_K,), jnp.int32),
            pltpu.VMEM((_K,), jnp.int32),
            pltpu.VMEM((_K,), jnp.int32),
            pltpu.VMEM((_K,), jnp.int32),
            pltpu.VMEM((8, 16), jnp.float32),
            pltpu.VMEM((16,), jnp.float32),
            pltpu.VMEM((32,), jnp.float32),
            pltpu.VMEM_SHARED((_N, _D), jnp.float32),
            pltpu.SemaphoreType.DMA,
            pltpu.SemaphoreType.DMA,
        ],
    )

    partials = edge_fn(
        a2, b2, bq,
        n_idx, r_idx, b_idx, tail_index, qidx,
        walpha_W.reshape(8, 16),
        jnp.full((16,), walpha_b[0], jnp.float32),
    )

    out = pl.pallas_call(
        _final_body,
        grid=(25,),
        in_specs=[
            pl.BlockSpec((_NC, 400, _D), lambda i: (0, i, 0)),
            pl.BlockSpec((_D, _D), lambda i: (0, 0)),
        ],
        out_specs=pl.BlockSpec((400, _D), lambda i: (i, 0)),
        out_shape=jax.ShapeDtypeStruct((_N, _D), jnp.float32),
    )(partials, Wh_W)

    return out

# --- scband reference (transcript-rebuilt; emitter-appended) ---
"""Pipeline reference for scband-gnnmodel-63204738728140 (READ-ONLY COPY).

The authoritative reference and input builder live on the scoring server;
editing this copy changes nothing except your own understanding.
"""

import jax, jax.numpy as jnp
import numpy as np

N = 10000   # nodes / queries
E = 320000  # edges (neighbor facts)
D = 128     # emb_dim
NRE = 2 * 5000 + 1  # rel_emd rows = 10001


def setup_inputs(seed: int = 0) -> dict:
    key = jax.random.key(seed)
    ks = jax.random.split(key, 16)
    query_rel = jax.random.randint(ks[0], (N,), 0, N, dtype=jnp.int32)
    temp_neighbors_facts = jax.random.randint(ks[1], (E, 6), 0, N, dtype=jnp.int32)
    tail_nodes = jax.random.randint(ks[2], (N,), 0, N, dtype=jnp.int32)
    tail_index = jax.random.randint(ks[3], (E,), 0, N, dtype=jnp.int32)
    hidden = jax.random.normal(ks[4], (N, D), dtype=jnp.float32)
    ent_emds = jax.random.normal(ks[5], (N, D), dtype=jnp.float32)
    rel_emds = jax.random.normal(ks[6], (NRE, D), dtype=jnp.float32)
    time_encoder = jnp.zeros((1,), dtype=jnp.float32)
    line_time = jnp.zeros((1,), dtype=jnp.int32)
    # learned parameters
    rel_emd_table = jax.random.normal(ks[7], (NRE, D), dtype=jnp.float32) * 0.02
    Ws_W = jax.random.normal(ks[8], (D, D), dtype=jnp.float32) * 0.05
    Wr_W = jax.random.normal(ks[9], (D, D), dtype=jnp.float32) * 0.05
    Wqr_W = jax.random.normal(ks[10], (D, D), dtype=jnp.float32) * 0.05
    Wqr_b = jnp.zeros((D,), dtype=jnp.float32)
    walpha_W = jax.random.normal(ks[11], (1, D), dtype=jnp.float32) * 0.05
    walpha_b = jnp.zeros((1,), dtype=jnp.float32)
    Wh_W = jax.random.normal(ks[12], (D, D), dtype=jnp.float32) * 0.05
    return {
        "query_rel": query_rel,
        "temp_neighbors_facts": temp_neighbors_facts,
        "tail_nodes": tail_nodes,
        "tail_index": tail_index,
        "hidden": hidden,
        "ent_emds": ent_emds,
        "rel_emds": rel_emds,
        "time_encoder": time_encoder,
        "line_time": line_time,
        "rel_emd_table": rel_emd_table,
        "Ws_W": Ws_W,
        "Wr_W": Wr_W,
        "Wqr_W": Wqr_W,
        "Wqr_b": Wqr_b,
        "walpha_W": walpha_W,
        "walpha_b": walpha_b,
        "Wh_W": Wh_W,
    }


def reference(query_rel, temp_neighbors_facts, tail_nodes, tail_index, hidden,
              ent_emds, rel_emds, time_encoder, line_time,
              rel_emd_table, Ws_W, Wr_W, Wqr_W, Wqr_b, walpha_W, walpha_b, Wh_W):
    b = temp_neighbors_facts[:, 0]
    n = temp_neighbors_facts[:, 1]
    r = temp_neighbors_facts[:, 3]
    h_e = jnp.take(hidden, n, axis=0)                      # gather node hidden states [E, D]
    hr = jnp.take(rel_emd_table, r + 1, axis=0)            # relation embedding lookup [E, D]
    q_all = jnp.take(rel_emd_table, query_rel + 1, axis=0) # query relation embeddings [N, D]
    q_r = jnp.take(q_all, b, axis=0)                       # gather per-edge query rel [E, D]
    message = h_e + hr
    pre = jax.nn.relu(h_e @ Ws_W.T + hr @ Wr_W.T + (q_r @ Wqr_W.T + Wqr_b))
    alpha = jax.nn.sigmoid(pre @ walpha_W.T + walpha_b)    # [E, 1]
    message = alpha * message
    message_agg = jax.ops.segment_sum(message, tail_index, num_segments=hidden.shape[0])
    new_hidden = message_agg @ Wh_W.T                      # act = identity
    return new_hidden

if __name__ == "__main__":
    import jax
    _d = setup_inputs()
    print(jax.jit(kernel)(*tuple(_d.values())))

</pallas_src>

<mosaic_0001>
#map = affine_map<(d0, d1) -> (0, 0)>
#map1 = affine_map<(d0, d1) -> (0)>
#map2 = affine_map<(d0, d1) -> (0, 0, 0)>
module attributes {stable_mosaic.version = 14 : i64} {
  func.func @_sc_edge_body(%arg0: i32, %arg1: i32, %arg2: memref<10000x256xf32, #tpu.memory_space<hbm>>, %arg3: memref<10240x256xf32, #tpu.memory_space<hbm>>, %arg4: memref<10240x128xf32, #tpu.memory_space<hbm>>, %arg5: memref<320000xi32, #tpu.memory_space<hbm>>, %arg6: memref<320000xi32, #tpu.memory_space<hbm>>, %arg7: memref<320000xi32, #tpu.memory_space<hbm>>, %arg8: memref<320000xi32, #tpu.memory_space<hbm>>, %arg9: memref<10000xi32, #tpu.memory_space<hbm>>, %arg10: memref<8x16xf32, #tpu.memory_space<hbm>>, %arg11: memref<16xf32, #tpu.memory_space<hbm>>, %arg12: memref<2x10000x128xf32, #tpu.memory_space<hbm>>, %arg13: memref<40x256xf32, #tpu.memory_space<vmem>>, %arg14: memref<40x256xf32, #tpu.memory_space<vmem>>, %arg15: memref<40x128xf32, #tpu.memory_space<vmem>>, %arg16: memref<40x128xf32, #tpu.memory_space<vmem>>, %arg17: memref<40xi32, #tpu.memory_space<vmem>>, %arg18: memref<40xi32, #tpu.memory_space<vmem>>, %arg19: memref<40xi32, #tpu.memory_space<vmem>>, %arg20: memref<40xi32, #tpu.memory_space<vmem>>, %arg21: memref<40xi32, #tpu.memory_space<vmem>>, %arg22: memref<8x16xf32, #tpu.memory_space<vmem>>, %arg23: memref<16xf32, #tpu.memory_space<vmem>>, %arg24: memref<32xf32, #tpu.memory_space<vmem>>, %arg25: memref<10000x128xf32, #tpu.memory_space<vmem_shared>>, %arg26: memref<!tpu.dma_semaphore, #tpu.memory_space<semaphore_mem>>, %arg27: memref<!tpu.dma_semaphore, #tpu.memory_space<semaphore_mem>>) attributes {dimension_semantics = [#tpu.dimension_semantics<core_parallel>, #tpu.dimension_semantics<subcore_parallel>], iteration_bounds = array<i64: 2, 16>, scalar_prefetch = 0 : i64, scratch_operands = 15 : i64, tpu.core_type = #tpu.core_type<sc_vector_subcore>, window_params = [{transform_indices = #map}, {transform_indices = #map}, {transform_indices = #map}, {transform_indices = #map1}, {transform_indices = #map1}, {transform_indices = #map1}, {transform_indices = #map1}, {transform_indices = #map1}, {transform_indices = #map}, {transform_indices = #map1}, {transform_indices = #map2}]} {
    %mul3A = arith.constant 16 : i32
    %mul3A_0 = arith.muli %arg0, %mul3A : i32
    %add3A = arith.addi %mul3A_0, %arg1 : i32
    "tpu.region"() ({
      %run_scoped3A = tpu.sem_alloc : memref<!tpu.dma_semaphore, #tpu.memory_space<semaphore_mem>>
      tpu.enqueue_dma source(%arg10 : memref<8x16xf32, #tpu.memory_space<hbm>>) target(%arg22 : memref<8x16xf32, #tpu.memory_space<vmem>>) target_semaphore(%run_scoped3A : memref<!tpu.dma_semaphore, #tpu.memory_space<semaphore_mem>>)
      tpu.wait_dma2 semaphore(%run_scoped3A : memref<!tpu.dma_semaphore, #tpu.memory_space<semaphore_mem>>) src(%arg10 : memref<8x16xf32, #tpu.memory_space<hbm>>) dst(%arg22 : memref<8x16xf32, #tpu.memory_space<vmem>>)
      tpu.yield
    }) : () -> ()
    "tpu.region"() ({
      %run_scoped3A = tpu.sem_alloc : memref<!tpu.dma_semaphore, #tpu.memory_space<semaphore_mem>>
      tpu.enqueue_dma source(%arg11 : memref<16xf32, #tpu.memory_space<hbm>>) target(%arg23 : memref<16xf32, #tpu.memory_space<vmem>>) target_semaphore(%run_scoped3A : memref<!tpu.dma_semaphore, #tpu.memory_space<semaphore_mem>>)
      tpu.wait_dma2 semaphore(%run_scoped3A : memref<!tpu.dma_semaphore, #tpu.memory_space<semaphore_mem>>) src(%arg11 : memref<16xf32, #tpu.memory_space<hbm>>) dst(%arg23 : memref<16xf32, #tpu.memory_space<vmem>>)
      tpu.yield
    }) : () -> ()
    %scan3A = arith.constant 0 : i32
    %scan3A_1 = arith.constant 0 : i32
    %scan3A_2 = arith.constant 40 : i32
    %scan3A_3 = arith.addi %scan3A_1, %scan3A_2 : i32
    %scan3A_4 = arith.constant 1 : i32
    scf.for %scan3A_67 = %scan3A_1 to %scan3A_3 step %scan3A_4  : i32 {
      %broadcast_in_dim3A_68 = arith.constant 0.000000e+00 : f32
      %broadcast_in_dim3A_69 = vector.broadcast %broadcast_in_dim3A_68 : f32 to vector<16xf32>
      %swap3A_70 = arith.index_cast %scan3A_67 : i32 to index
      %swap3A_71 = arith.constant 0 : index
      %swap3A_72 = tpu.vector_load %arg16[%swap3A_70, %swap3A_71] {strides = array<i32>} : memref<40x128xf32, #tpu.memory_space<vmem>>, vector<1x16xf32>,
      %swap3A_73 = vector.shape_cast %swap3A_72 : vector<1x16xf32> to vector<16xf32>
      %swap3A_74 = vector.shape_cast %broadcast_in_dim3A_69 : vector<16xf32> to vector<1x16xf32>
      tpu.vector_store %arg16[%swap3A_70, %swap3A_71], %swap3A_74 {strides = array<i32>} : memref<40x128xf32, #tpu.memory_space<vmem>>, vector<1x16xf32>,
      %broadcast_in_dim3A_75 = arith.constant 0.000000e+00 : f32
      %broadcast_in_dim3A_76 = vector.broadcast %broadcast_in_dim3A_75 : f32 to vector<16xf32>
      %swap3A_77 = arith.index_cast %scan3A_67 : i32 to index
      %swap3A_78 = arith.constant 16 : index
      %swap3A_79 = tpu.vector_load %arg16[%swap3A_77, %swap3A_78] {strides = array<i32>} : memref<40x128xf32, #tpu.memory_space<vmem>>, vector<1x16xf32>,
      %swap3A_80 = vector.shape_cast %swap3A_79 : vector<1x16xf32> to vector<16xf32>
      %swap3A_81 = vector.shape_cast %broadcast_in_dim3A_76 : vector<16xf32> to vector<1x16xf32>
      tpu.vector_store %arg16[%swap3A_77, %swap3A_78], %swap3A_81 {strides = array<i32>} : memref<40x128xf32, #tpu.memory_space<vmem>>, vector<1x16xf32>,
      %broadcast_in_dim3A_82 = arith.constant 0.000000e+00 : f32
      %broadcast_in_dim3A_83 = vector.broadcast %broadcast_in_dim3A_82 : f32 to vector<16xf32>
      %swap3A_84 = arith.index_cast %scan3A_67 : i32 to index
      %swap3A_85 = arith.constant 32 : index
      %swap3A_86 = tpu.vector_load %arg16[%swap3A_84, %swap3A_85] {strides = array<i32>} : memref<40x128xf32, #tpu.memory_space<vmem>>, vector<1x16xf32>,
      %swap3A_87 = vector.shape_cast %swap3A_86 : vector<1x16xf32> to vector<16xf32>
      %swap3A_88 = vector.shape_cast %broadcast_in_dim3A_83 : vector<16xf32> to vector<1x16xf32>
      tpu.vector_store %arg16[%swap3A_84, %swap3A_85], %swap3A_88 {strides = array<i32>} : memref<40x128xf32, #tpu.memory_space<vmem>>, vector<1x16xf32>,
      %broadcast_in_dim3A_89 = arith.constant 0.000000e+00 : f32
      %broadcast_in_dim3A_90 = vector.broadcast %broadcast_in_dim3A_89 : f32 to vector<16xf32>
      %swap3A_91 = arith.index_cast %scan3A_67 : i32 to index
      %swap3A_92 = arith.constant 48 : index
      %swap3A_93 = tpu.vector_load %arg16[%swap3A_91, %swap3A_92] {strides = array<i32>} : memref<40x128xf32, #tpu.memory_space<vmem>>, vector<1x16xf32>,
      %swap3A_94 = vector.shape_cast %swap3A_93 : vector<1x16xf32> to vector<16xf32>
      %swap3A_95 = vector.shape_cast %broadcast_in_dim3A_90 : vector<16xf32> to vector<1x16xf32>
      tpu.vector_store %arg16[%swap3A_91, %swap3A_92], %swap3A_95 {strides = array<i32>} : memref<40x128xf32, #tpu.memory_space<vmem>>, vector<1x16xf32>,
      %broadcast_in_dim3A_96 = arith.constant 0.000000e+00 : f32
      %broadcast_in_dim3A_97 = vector.broadcast %broadcast_in_dim3A_96 : f32 to vector<16xf32>
      %swap3A_98 = arith.index_cast %scan3A_67 : i32 to index
      %swap3A_99 = arith.constant 64 : index
      %swap3A_100 = tpu.vector_load %arg16[%swap3A_98, %swap3A_99] {strides = array<i32>} : memref<40x128xf32, #tpu.memory_space<vmem>>, vector<1x16xf32>,
      %swap3A_101 = vector.shape_cast %swap3A_100 : vector<1x16xf32> to vector<16xf32>
      %swap3A_102 = vector.shape_cast %broadcast_in_dim3A_97 : vector<16xf32> to vector<1x16xf32>
      tpu.vector_store %arg16[%swap3A_98, %swap3A_99], %swap3A_102 {strides = array<i32>} : memref<40x128xf32, #tpu.memory_space<vmem>>, vector<1x16xf32>,
      %broadcast_in_dim3A_103 = arith.constant 0.000000e+00 : f32
      %broadcast_in_dim3A_104 = vector.broadcast %broadcast_in_dim3A_103 : f32 to vector<16xf32>
      %swap3A_105 = arith.index_cast %scan3A_67 : i32 to index
      %swap3A_106 = arith.constant 80 : index
      %swap3A_107 = tpu.vector_load %arg16[%swap3A_105, %swap3A_106] {strides = array<i32>} : memref<40x128xf32, #tpu.memory_space<vmem>>, vector<1x16xf32>,
      %swap3A_108 = vector.shape_cast %swap3A_107 : vector<1x16xf32> to vector<16xf32>
      %swap3A_109 = vector.shape_cast %broadcast_in_dim3A_104 : vector<16xf32> to vector<1x16xf32>
      tpu.vector_store %arg16[%swap3A_105, %swap3A_106], %swap3A_109 {strides = array<i32>} : memref<40x128xf32, #tpu.memory_space<vmem>>, vector<1x16xf32>,
      %broadcast_in_dim3A_110 = arith.constant 0.000000e+00 : f32
      %broadcast_in_dim3A_111 = vector.broadcast %broadcast_in_dim3A_110 : f32 to vector<16xf32>
      %swap3A_112 = arith.index_cast %scan3A_67 : i32 to index
      %swap3A_113 = arith.constant 96 : index
      %swap3A_114 = tpu.vector_load %arg16[%swap3A_112, %swap3A_113] {strides = array<i32>} : memref<40x128xf32, #tpu.memory_space<vmem>>, vector<1x16xf32>,
      %swap3A_115 = vector.shape_cast %swap3A_114 : vector<1x16xf32> to vector<16xf32>
      %swap3A_116 = vector.shape_cast %broadcast_in_dim3A_111 : vector<16xf32> to vector<1x16xf32>
      tpu.vector_store %arg16[%swap3A_112, %swap3A_113], %swap3A_116 {strides = array<i32>} : memref<40x128xf32, #tpu.memory_space<vmem>>, vector<1x16xf32>,
      %broadcast_in_dim3A_117 = arith.constant 0.000000e+00 : f32
      %broadcast_in_dim3A_118 = vector.broadcast %broadcast_in_dim3A_117 : f32 to vector<16xf32>
      %swap3A_119 = arith.index_cast %scan3A_67 : i32 to index
      %swap3A_120 = arith.constant 112 : index
      %swap3A_121 = tpu.vector_load %arg16[%swap3A_119, %swap3A_120] {strides = array<i32>} : memref<40x128xf32, #tpu.memory_space<vmem>>, vector<1x16xf32>,
      %swap3A_122 = vector.shape_cast %swap3A_121 : vector<1x16xf32> to vector<16xf32>
      %swap3A_123 = vector.shape_cast %broadcast_in_dim3A_118 : vector<16xf32> to vector<1x16xf32>
      tpu.vector_store %arg16[%swap3A_119, %swap3A_120], %swap3A_123 {strides = array<i32>} : memref<40x128xf32, #tpu.memory_space<vmem>>, vector<1x16xf32>,
    }
    %scan3A_5 = arith.constant 40 : i32
    %broadcast_in_dim3A = arith.constant 0.000000e+00 : f32
    %broadcast_in_dim3A_6 = vector.broadcast %broadcast_in_dim3A : f32 to vector<16xf32>
    %swap3A = arith.constant 16 : index
    %swap3A_7 = tpu.vector_load %arg24[%swap3A] {strides = array<i32>} : memref<32xf32, #tpu.memory_space<vmem>>, vector<16xf32>,
    %swap3A_8 = vector.shape_cast %swap3A_7 : vector<16xf32> to vector<16xf32>
    %swap3A_9 = vector.shape_cast %broadcast_in_dim3A_6 : vector<16xf32> to vector<16xf32>
    tpu.vector_store %arg24[%swap3A], %swap3A_9 {strides = array<i32>} : memref<32xf32, #tpu.memory_space<vmem>>, vector<16xf32>,
    %mul3A_10 = arith.constant 624 : i32
    %mul3A_11 = arith.muli %arg1, %mul3A_10 : i32
    %multiple_of3A = tpu.assume_multiple %mul3A_11, 8 : i32
    %add3A_12 = arith.constant 0 : i32
    %add3A_13 = arith.addi %multiple_of3A, %add3A_12 : i32
    "tpu.region"() ({
      %run_scoped3A = tpu.sem_alloc : memref<!tpu.dma_semaphore, #tpu.memory_space<semaphore_mem>>
      %dma_start3A = arith.constant 0 : i32
      %dma_start3A_67 = tpu.memref_slice %arg25[%add3A_13, %dma_start3A] : memref<10000x128xf32, #tpu.memory_space<vmem_shared>> -> memref<40x128xf32, #tpu.memory_space<vmem_shared>>
      %dma_start3A_68 = arith.constant 0 : i32
      %dma_start3A_69 = tpu.memref_slice %arg25[%add3A_13, %dma_start3A_68] : memref<10000x128xf32, #tpu.memory_space<vmem_shared>> -> memref<40x128xf32, #tpu.memory_space<vmem_shared>>
      tpu.enqueue_dma source(%arg16 : memref<40x128xf32, #tpu.memory_space<vmem>>) target(%dma_start3A_69 : memref<40x128xf32, #tpu.memory_space<vmem_shared>>) target_semaphore(%run_scoped3A : memref<!tpu.dma_semaphore, #tpu.memory_space<semaphore_mem>>)
      %dma_wait3A = arith.constant 0 : i32
      %dma_wait3A_70 = tpu.memref_slice %arg25[%add3A_13, %dma_wait3A] : memref<10000x128xf32, #tpu.memory_space<vmem_shared>> -> memref<40x128xf32, #tpu.memory_space<vmem_shared>>
      %dma_wait3A_71 = arith.constant 0 : i32
      %dma_wait3A_72 = tpu.memref_slice %arg25[%add3A_13, %dma_wait3A_71] : memref<10000x128xf32, #tpu.memory_space<vmem_shared>> -> memref<40x128xf32, #tpu.memory_space<vmem_shared>>
      tpu.wait_dma2 semaphore(%run_scoped3A : memref<!tpu.dma_semaphore, #tpu.memory_space<semaphore_mem>>) src(%arg16 : memref<40x128xf32, #tpu.memory_space<vmem>>) dst(%dma_wait3A_72 : memref<40x128xf32, #tpu.memory_space<vmem_shared>>)
      tpu.yield
    }) : () -> ()
    %add3A_14 = arith.constant 40 : i32
    %add3A_15 = arith.addi %multiple_of3A, %add3A_14 : i32
    "tpu.region"() ({
      %run_scoped3A = tpu.sem_alloc : memref<!tpu.dma_semaphore, #tpu.memory_space<semaphore_mem>>
      %dma_start3A = arith.constant 0 : i32
      %dma_start3A_67 = tpu.memref_slice %arg25[%add3A_15, %dma_start3A] : memref<10000x128xf32, #tpu.memory_space<vmem_shared>> -> memref<40x128xf32, #tpu.memory_space<vmem_shared>>
      %dma_start3A_68 = arith.constant 0 : i32
      %dma_start3A_69 = tpu.memref_slice %arg25[%add3A_15, %dma_start3A_68] : memref<10000x128xf32, #tpu.memory_space<vmem_shared>> -> memref<40x128xf32, #tpu.memory_space<vmem_shared>>
      tpu.enqueue_dma source(%arg16 : memref<40x128xf32, #tpu.memory_space<vmem>>) target(%dma_start3A_69 : memref<40x128xf32, #tpu.memory_space<vmem_shared>>) target_semaphore(%run_scoped3A : memref<!tpu.dma_semaphore, #tpu.memory_space<semaphore_mem>>)
      %dma_wait3A = arith.constant 0 : i32
      %dma_wait3A_70 = tpu.memref_slice %arg25[%add3A_15, %dma_wait3A] : memref<10000x128xf32, #tpu.memory_space<vmem_shared>> -> memref<40x128xf32, #tpu.memory_space<vmem_shared>>
      %dma_wait3A_71 = arith.constant 0 : i32
      %dma_wait3A_72 = tpu.memref_slice %arg25[%add3A_15, %dma_wait3A_71] : memref<10000x128xf32, #tpu.memory_space<vmem_shared>> -> memref<40x128xf32, #tpu.memory_space<vmem_shared>>
      tpu.wait_dma2 semaphore(%run_scoped3A : memref<!tpu.dma_semaphore, #tpu.memory_space<semaphore_mem>>) src(%arg16 : memref<40x128xf32, #tpu.memory_space<vmem>>) dst(%dma_wait3A_72 : memref<40x128xf32, #tpu.memory_space<vmem_shared>>)
      tpu.yield
    }) : () -> ()
    %add3A_16 = arith.constant 80 : i32
    %add3A_17 = arith.addi %multiple_of3A, %add3A_16 : i32
    "tpu.region"() ({
      %run_scoped3A = tpu.sem_alloc : memref<!tpu.dma_semaphore, #tpu.memory_space<semaphore_mem>>
      %dma_start3A = arith.constant 0 : i32
      %dma_start3A_67 = tpu.memref_slice %arg25[%add3A_17, %dma_start3A] : memref<10000x128xf32, #tpu.memory_space<vmem_shared>> -> memref<40x128xf32, #tpu.memory_space<vmem_shared>>
      %dma_start3A_68 = arith.constant 0 : i32
      %dma_start3A_69 = tpu.memref_slice %arg25[%add3A_17, %dma_start3A_68] : memref<10000x128xf32, #tpu.memory_space<vmem_shared>> -> memref<40x128xf32, #tpu.memory_space<vmem_shared>>
      tpu.enqueue_dma source(%arg16 : memref<40x128xf32, #tpu.memory_space<vmem>>) target(%dma_start3A_69 : memref<40x128xf32, #tpu.memory_space<vmem_shared>>) target_semaphore(%run_scoped3A : memref<!tpu.dma_semaphore, #tpu.memory_space<semaphore_mem>>)
      %dma_wait3A = arith.constant 0 : i32
      %dma_wait3A_70 = tpu.memref_slice %arg25[%add3A_17, %dma_wait3A] : memref<10000x128xf32, #tpu.memory_space<vmem_shared>> -> memref<40x128xf32, #tpu.memory_space<vmem_shared>>
      %dma_wait3A_71 = arith.constant 0 : i32
      %dma_wait3A_72 = tpu.memref_slice %arg25[%add3A_17, %dma_wait3A_71] : memref<10000x128xf32, #tpu.memory_space<vmem_shared>> -> memref<40x128xf32, #tpu.memory_space<vmem_shared>>
      tpu.wait_dma2 semaphore(%run_scoped3A : memref<!tpu.dma_semaphore, #tpu.memory_space<semaphore_mem>>) src(%arg16 : memref<40x128xf32, #tpu.memory_space<vmem>>) dst(%dma_wait3A_72 : memref<40x128xf32, #tpu.memory_space<vmem_shared>>)
      tpu.yield
    }) : () -> ()
    %add3A_18 = arith.constant 120 : i32
    %add3A_19 = arith.addi %multiple_of3A, %add3A_18 : i32
    "tpu.region"() ({
      %run_scoped3A = tpu.sem_alloc : memref<!tpu.dma_semaphore, #tpu.memory_space<semaphore_mem>>
      %dma_start3A = arith.constant 0 : i32
      %dma_start3A_67 = tpu.memref_slice %arg25[%add3A_19, %dma_start3A] : memref<10000x128xf32, #tpu.memory_space<vmem_shared>> -> memref<40x128xf32, #tpu.memory_space<vmem_shared>>
      %dma_start3A_68 = arith.constant 0 : i32
      %dma_start3A_69 = tpu.memref_slice %arg25[%add3A_19, %dma_start3A_68] : memref<10000x128xf32, #tpu.memory_space<vmem_shared>> -> memref<40x128xf32, #tpu.memory_space<vmem_shared>>
      tpu.enqueue_dma source(%arg16 : memref<40x128xf32, #tpu.memory_space<vmem>>) target(%dma_start3A_69 : memref<40x128xf32, #tpu.memory_space<vmem_shared>>) target_semaphore(%run_scoped3A : memref<!tpu.dma_semaphore, #tpu.memory_space<semaphore_mem>>)
      %dma_wait3A = arith.constant 0 : i32
      %dma_wait3A_70 = tpu.memref_slice %arg25[%add3A_19, %dma_wait3A] : memref<10000x128xf32, #tpu.memory_space<vmem_shared>> -> memref<40x128xf32, #tpu.memory_space<vmem_shared>>
      %dma_wait3A_71 = arith.constant 0 : i32
      %dma_wait3A_72 = tpu.memref_slice %arg25[%add3A_19, %dma_wait3A_71] : memref<10000x128xf32, #tpu.memory_space<vmem_shared>> -> memref<40x128xf32, #tpu.memory_space<vmem_shared>>
      tpu.wait_dma2 semaphore(%run_scoped3A : memref<!tpu.dma_semaphore, #tpu.memory_space<semaphore_mem>>) src(%arg16 : memref<40x128xf32, #tpu.memory_space<vmem>>) dst(%dma_wait3A_72 : memref<40x128xf32, #tpu.memory_space<vmem_shared>>)
      tpu.yield
    }) : () -> ()
    %add3A_20 = arith.constant 160 : i32
    %add3A_21 = arith.addi %multiple_of3A, %add3A_20 : i32
    "tpu.region"() ({
      %run_scoped3A = tpu.sem_alloc : memref<!tpu.dma_semaphore, #tpu.memory_space<semaphore_mem>>
      %dma_start3A = arith.constant 0 : i32
      %dma_start3A_67 = tpu.memref_slice %arg25[%add3A_21, %dma_start3A] : memref<10000x128xf32, #tpu.memory_space<vmem_shared>> -> memref<40x128xf32, #tpu.memory_space<vmem_shared>>
      %dma_start3A_68 = arith.constant 0 : i32
      %dma_start3A_69 = tpu.memref_slice %arg25[%add3A_21, %dma_start3A_68] : memref<10000x128xf32, #tpu.memory_space<vmem_shared>> -> memref<40x128xf32, #tpu.memory_space<vmem_shared>>
      tpu.enqueue_dma source(%arg16 : memref<40x128xf32, #tpu.memory_space<vmem>>) target(%dma_start3A_69 : memref<40x128xf32, #tpu.memory_space<vmem_shared>>) target_semaphore(%run_scoped3A : memref<!tpu.dma_semaphore, #tpu.memory_space<semaphore_mem>>)
      %dma_wait3A = arith.constant 0 : i32
      %dma_wait3A_70 = tpu.memref_slice %arg25[%add3A_21, %dma_wait3A] : memref<10000x128xf32, #tpu.memory_space<vmem_shared>> -> memref<40x128xf32, #tpu.memory_space<vmem_shared>>
      %dma_wait3A_71 = arith.constant 0 : i32
      %dma_wait3A_72 = tpu.memref_slice %arg25[%add3A_21, %dma_wait3A_71] : memref<10000x128xf32, #tpu.memory_space<vmem_shared>> -> memref<40x128xf32, #tpu.memory_space<vmem_shared>>
      tpu.wait_dma2 semaphore(%run_scoped3A : memref<!tpu.dma_semaphore, #tpu.memory_space<semaphore_mem>>) src(%arg16 : memref<40x128xf32, #tpu.memory_space<vmem>>) dst(%dma_wait3A_72 : memref<40x128xf32, #tpu.memory_space<vmem_shared>>)
      tpu.yield
    }) : () -> ()
    %add3A_22 = arith.constant 200 : i32
    %add3A_23 = arith.addi %multiple_of3A, %add3A_22 : i32
    "tpu.region"() ({
      %run_scoped3A = tpu.sem_alloc : memref<!tpu.dma_semaphore, #tpu.memory_space<semaphore_mem>>
      %dma_start3A = arith.constant 0 : i32
      %dma_start3A_67 = tpu.memref_slice %arg25[%add3A_23, %dma_start3A] : memref<10000x128xf32, #tpu.memory_space<vmem_shared>> -> memref<40x128xf32, #tpu.memory_space<vmem_shared>>
      %dma_start3A_68 = arith.constant 0 : i32
      %dma_start3A_69 = tpu.memref_slice %arg25[%add3A_23, %dma_start3A_68] : memref<10000x128xf32, #tpu.memory_space<vmem_shared>> -> memref<40x128xf32, #tpu.memory_space<vmem_shared>>
      tpu.enqueue_dma source(%arg16 : memref<40x128xf32, #tpu.memory_space<vmem>>) target(%dma_start3A_69 : memref<40x128xf32, #tpu.memory_space<vmem_shared>>) target_semaphore(%run_scoped3A : memref<!tpu.dma_semaphore, #tpu.memory_space<semaphore_mem>>)
      %dma_wait3A = arith.constant 0 : i32
      %dma_wait3A_70 = tpu.memref_slice %arg25[%add3A_23, %dma_wait3A] : memref<10000x128xf32, #tpu.memory_space<vmem_shared>> -> memref<40x128xf32, #tpu.memory_space<vmem_shared>>
      %dma_wait3A_71 = arith.constant 0 : i32
      %dma_wait3A_72 = tpu.memref_slice %arg25[%add3A_23, %dma_wait3A_71] : memref<10000x128xf32, #tpu.memory_space<vmem_shared>> -> memref<40x128xf32, #tpu.memory_space<vmem_shared>>
      tpu.wait_dma2 semaphore(%run_scoped3A : memref<!tpu.dma_semaphore, #tpu.memory_space<semaphore_mem>>) src(%arg16 : memref<40x128xf32, #tpu.memory_space<vmem>>) dst(%dma_wait3A_72 : memref<40x128xf32, #tpu.memory_space<vmem_shared>>)
      tpu.yield
    }) : () -> ()
    %add3A_24 = arith.constant 240 : i32
    %add3A_25 = arith.addi %multiple_of3A, %add3A_24 : i32
    "tpu.region"() ({
      %run_scoped3A = tpu.sem_alloc : memref<!tpu.dma_semaphore, #tpu.memory_space<semaphore_mem>>
      %dma_start3A = arith.constant 0 : i32
      %dma_start3A_67 = tpu.memref_slice %arg25[%add3A_25, %dma_start3A] : memref<10000x128xf32, #tpu.memory_space<vmem_shared>> -> memref<40x128xf32, #tpu.memory_space<vmem_shared>>
      %dma_start3A_68 = arith.constant 0 : i32
      %dma_start3A_69 = tpu.memref_slice %arg25[%add3A_25, %dma_start3A_68] : memref<10000x128xf32, #tpu.memory_space<vmem_shared>> -> memref<40x128xf32, #tpu.memory_space<vmem_shared>>
      tpu.enqueue_dma source(%arg16 : memref<40x128xf32, #tpu.memory_space<vmem>>) target(%dma_start3A_69 : memref<40x128xf32, #tpu.memory_space<vmem_shared>>) target_semaphore(%run_scoped3A : memref<!tpu.dma_semaphore, #tpu.memory_space<semaphore_mem>>)
      %dma_wait3A = arith.constant 0 : i32
      %dma_wait3A_70 = tpu.memref_slice %arg25[%add3A_25, %dma_wait3A] : memref<10000x128xf32, #tpu.memory_space<vmem_shared>> -> memref<40x128xf32, #tpu.memory_space<vmem_shared>>
      %dma_wait3A_71 = arith.constant 0 : i32
      %dma_wait3A_72 = tpu.memref_slice %arg25[%add3A_25, %dma_wait3A_71] : memref<10000x128xf32, #tpu.memory_space<vmem_shared>> -> memref<40x128xf32, #tpu.memory_space<vmem_shared>>
      tpu.wait_dma2 semaphore(%run_scoped3A : memref<!tpu.dma_semaphore, #tpu.memory_space<semaphore_mem>>) src(%arg16 : memref<40x128xf32, #tpu.memory_space<vmem>>) dst(%dma_wait3A_72 : memref<40x128xf32, #tpu.memory_space<vmem_shared>>)
      tpu.yield
    }) : () -> ()
    %add3A_26 = arith.constant 280 : i32
    %add3A_27 = arith.addi %multiple_of3A, %add3A_26 : i32
    "tpu.region"() ({
      %run_scoped3A = tpu.sem_alloc : memref<!tpu.dma_semaphore, #tpu.memory_space<semaphore_mem>>
      %dma_start3A = arith.constant 0 : i32
      %dma_start3A_67 = tpu.memref_slice %arg25[%add3A_27, %dma_start3A] : memref<10000x128xf32, #tpu.memory_space<vmem_shared>> -> memref<40x128xf32, #tpu.memory_space<vmem_shared>>
      %dma_start3A_68 = arith.constant 0 : i32
      %dma_start3A_69 = tpu.memref_slice %arg25[%add3A_27, %dma_start3A_68] : memref<10000x128xf32, #tpu.memory_space<vmem_shared>> -> memref<40x128xf32, #tpu.memory_space<vmem_shared>>
      tpu.enqueue_dma source(%arg16 : memref<40x128xf32, #tpu.memory_space<vmem>>) target(%dma_start3A_69 : memref<40x128xf32, #tpu.memory_space<vmem_shared>>) target_semaphore(%run_scoped3A : memref<!tpu.dma_semaphore, #tpu.memory_space<semaphore_mem>>)
      %dma_wait3A = arith.constant 0 : i32
      %dma_wait3A_70 = tpu.memref_slice %arg25[%add3A_27, %dma_wait3A] : memref<10000x128xf32, #tpu.memory_space<vmem_shared>> -> memref<40x128xf32, #tpu.memory_space<vmem_shared>>
      %dma_wait3A_71 = arith.constant 0 : i32
      %dma_wait3A_72 = tpu.memref_slice %arg25[%add3A_27, %dma_wait3A_71] : memref<10000x128xf32, #tpu.memory_space<vmem_shared>> -> memref<40x128xf32, #tpu.memory_space<vmem_shared>>
      tpu.wait_dma2 semaphore(%run_scoped3A : memref<!tpu.dma_semaphore, #tpu.memory_space<semaphore_mem>>) src(%arg16 : memref<40x128xf32, #tpu.memory_space<vmem>>) dst(%dma_wait3A_72 : memref<40x128xf32, #tpu.memory_space<vmem_shared>>)
      tpu.yield
    }) : () -> ()
    %add3A_28 = arith.constant 320 : i32
    %add3A_29 = arith.addi %multiple_of3A, %add3A_28 : i32
    "tpu.region"() ({
      %run_scoped3A = tpu.sem_alloc : memref<!tpu.dma_semaphore, #tpu.memory_space<semaphore_mem>>
      %dma_start3A = arith.constant 0 : i32
      %dma_start3A_67 = tpu.memref_slice %arg25[%add3A_29, %dma_start3A] : memref<10000x128xf32, #tpu.memory_space<vmem_shared>> -> memref<40x128xf32, #tpu.memory_space<vmem_shared>>
      %dma_start3A_68 = arith.constant 0 : i32
      %dma_start3A_69 = tpu.memref_slice %arg25[%add3A_29, %dma_start3A_68] : memref<10000x128xf32, #tpu.memory_space<vmem_shared>> -> memref<40x128xf32, #tpu.memory_space<vmem_shared>>
      tpu.enqueue_dma source(%arg16 : memref<40x128xf32, #tpu.memory_space<vmem>>) target(%dma_start3A_69 : memref<40x128xf32, #tpu.memory_space<vmem_shared>>) target_semaphore(%run_scoped3A : memref<!tpu.dma_semaphore, #tpu.memory_space<semaphore_mem>>)
      %dma_wait3A = arith.constant 0 : i32
      %dma_wait3A_70 = tpu.memref_slice %arg25[%add3A_29, %dma_wait3A] : memref<10000x128xf32, #tpu.memory_space<vmem_shared>> -> memref<40x128xf32, #tpu.memory_space<vmem_shared>>
      %dma_wait3A_71 = arith.constant 0 : i32
      %dma_wait3A_72 = tpu.memref_slice %arg25[%add3A_29, %dma_wait3A_71] : memref<10000x128xf32, #tpu.memory_space<vmem_shared>> -> memref<40x128xf32, #tpu.memory_space<vmem_shared>>
      tpu.wait_dma2 semaphore(%run_scoped3A : memref<!tpu.dma_semaphore, #tpu.memory_space<semaphore_mem>>) src(%arg16 : memref<40x128xf32, #tpu.memory_space<vmem>>) dst(%dma_wait3A_72 : memref<40x128xf32, #tpu.memory_space<vmem_shared>>)
      tpu.yield
    }) : () -> ()
    %add3A_30 = arith.constant 360 : i32
    %add3A_31 = arith.addi %multiple_of3A, %add3A_30 : i32
    "tpu.region"() ({
      %run_scoped3A = tpu.sem_alloc : memref<!tpu.dma_semaphore, #tpu.memory_space<semaphore_mem>>
      %dma_start3A = arith.constant 0 : i32
      %dma_start3A_67 = tpu.memref_slice %arg25[%add3A_31, %dma_start3A] : memref<10000x128xf32, #tpu.memory_space<vmem_shared>> -> memref<40x128xf32, #tpu.memory_space<vmem_shared>>
      %dma_start3A_68 = arith.constant 0 : i32
      %dma_start3A_69 = tpu.memref_slice %arg25[%add3A_31, %dma_start3A_68] : memref<10000x128xf32, #tpu.memory_space<vmem_shared>> -> memref<40x128xf32, #tpu.memory_space<vmem_shared>>
      tpu.enqueue_dma source(%arg16 : memref<40x128xf32, #tpu.memory_space<vmem>>) target(%dma_start3A_69 : memref<40x128xf32, #tpu.memory_space<vmem_shared>>) target_semaphore(%run_scoped3A : memref<!tpu.dma_semaphore, #tpu.memory_space<semaphore_mem>>)
      %dma_wait3A = arith.constant 0 : i32
      %dma_wait3A_70 = tpu.memref_slice %arg25[%add3A_31, %dma_wait3A] : memref<10000x128xf32, #tpu.memory_space<vmem_shared>> -> memref<40x128xf32, #tpu.memory_space<vmem_shared>>
      %dma_wait3A_71 = arith.constant 0 : i32
      %dma_wait3A_72 = tpu.memref_slice %arg25[%add3A_31, %dma_wait3A_71] : memref<10000x128xf32, #tpu.memory_space<vmem_shared>> -> memref<40x128xf32, #tpu.memory_space<vmem_shared>>
      tpu.wait_dma2 semaphore(%run_scoped3A : memref<!tpu.dma_semaphore, #tpu.memory_space<semaphore_mem>>) src(%arg16 : memref<40x128xf32, #tpu.memory_space<vmem>>) dst(%dma_wait3A_72 : memref<40x128xf32, #tpu.memory_space<vmem_shared>>)
      tpu.yield
    }) : () -> ()
    %add3A_32 = arith.constant 400 : i32
    %add3A_33 = arith.addi %multiple_of3A, %add3A_32 : i32
    "tpu.region"() ({
      %run_scoped3A = tpu.sem_alloc : memref<!tpu.dma_semaphore, #tpu.memory_space<semaphore_mem>>
      %dma_start3A = arith.constant 0 : i32
      %dma_start3A_67 = tpu.memref_slice %arg25[%add3A_33, %dma_start3A] : memref<10000x128xf32, #tpu.memory_space<vmem_shared>> -> memref<40x128xf32, #tpu.memory_space<vmem_shared>>
      %dma_start3A_68 = arith.constant 0 : i32
      %dma_start3A_69 = tpu.memref_slice %arg25[%add3A_33, %dma_start3A_68] : memref<10000x128xf32, #tpu.memory_space<vmem_shared>> -> memref<40x128xf32, #tpu.memory_space<vmem_shared>>
      tpu.enqueue_dma source(%arg16 : memref<40x128xf32, #tpu.memory_space<vmem>>) target(%dma_start3A_69 : memref<40x128xf32, #tpu.memory_space<vmem_shared>>) target_semaphore(%run_scoped3A : memref<!tpu.dma_semaphore, #tpu.memory_space<semaphore_mem>>)
      %dma_wait3A = arith.constant 0 : i32
      %dma_wait3A_70 = tpu.memref_slice %arg25[%add3A_33, %dma_wait3A] : memref<10000x128xf32, #tpu.memory_space<vmem_shared>> -> memref<40x128xf32, #tpu.memory_space<vmem_shared>>
      %dma_wait3A_71 = arith.constant 0 : i32
      %dma_wait3A_72 = tpu.memref_slice %arg25[%add3A_33, %dma_wait3A_71] : memref<10000x128xf32, #tpu.memory_space<vmem_shared>> -> memref<40x128xf32, #tpu.memory_space<vmem_shared>>
      tpu.wait_dma2 semaphore(%run_scoped3A : memref<!tpu.dma_semaphore, #tpu.memory_space<semaphore_mem>>) src(%arg16 : memref<40x128xf32, #tpu.memory_space<vmem>>) dst(%dma_wait3A_72 : memref<40x128xf32, #tpu.memory_space<vmem_shared>>)
      tpu.yield
    }) : () -> ()
    %add3A_34 = arith.constant 440 : i32
    %add3A_35 = arith.addi %multiple_of3A, %add3A_34 : i32
    "tpu.region"() ({
      %run_scoped3A = tpu.sem_alloc : memref<!tpu.dma_semaphore, #tpu.memory_space<semaphore_mem>>
      %dma_start3A = arith.constant 0 : i32
      %dma_start3A_67 = tpu.memref_slice %arg25[%add3A_35, %dma_start3A] : memref<10000x128xf32, #tpu.memory_space<vmem_shared>> -> memref<40x128xf32, #tpu.memory_space<vmem_shared>>
      %dma_start3A_68 = arith.constant 0 : i32
      %dma_start3A_69 = tpu.memref_slice %arg25[%add3A_35, %dma_start3A_68] : memref<10000x128xf32, #tpu.memory_space<vmem_shared>> -> memref<40x128xf32, #tpu.memory_space<vmem_shared>>
      tpu.enqueue_dma source(%arg16 : memref<40x128xf32, #tpu.memory_space<vmem>>) target(%dma_start3A_69 : memref<40x128xf32, #tpu.memory_space<vmem_shared>>) target_semaphore(%run_scoped3A : memref<!tpu.dma_semaphore, #tpu.memory_space<semaphore_mem>>)
      %dma_wait3A = arith.constant 0 : i32
      %dma_wait3A_70 = tpu.memref_slice %arg25[%add3A_35, %dma_wait3A] : memref<10000x128xf32, #tpu.memory_space<vmem_shared>> -> memref<40x128xf32, #tpu.memory_space<vmem_shared>>
      %dma_wait3A_71 = arith.constant 0 : i32
      %dma_wait3A_72 = tpu.memref_slice %arg25[%add3A_35, %dma_wait3A_71] : memref<10000x128xf32, #tpu.memory_space<vmem_shared>> -> memref<40x128xf32, #tpu.memory_space<vmem_shared>>
      tpu.wait_dma2 semaphore(%run_scoped3A : memref<!tpu.dma_semaphore, #tpu.memory_space<semaphore_mem>>) src(%arg16 : memref<40x128xf32, #tpu.memory_space<vmem>>) dst(%dma_wait3A_72 : memref<40x128xf32, #tpu.memory_space<vmem_shared>>)
      tpu.yield
    }) : () -> ()
    %add3A_36 = arith.constant 480 : i32
    %add3A_37 = arith.addi %multiple_of3A, %add3A_36 : i32
    "tpu.region"() ({
      %run_scoped3A = tpu.sem_alloc : memref<!tpu.dma_semaphore, #tpu.memory_space<semaphore_mem>>
      %dma_start3A = arith.constant 0 : i32
      %dma_start3A_67 = tpu.memref_slice %arg25[%add3A_37, %dma_start3A] : memref<10000x128xf32, #tpu.memory_space<vmem_shared>> -> memref<40x128xf32, #tpu.memory_space<vmem_shared>>
      %dma_start3A_68 = arith.constant 0 : i32
      %dma_start3A_69 = tpu.memref_slice %arg25[%add3A_37, %dma_start3A_68] : memref<10000x128xf32, #tpu.memory_space<vmem_shared>> -> memref<40x128xf32, #tpu.memory_space<vmem_shared>>
      tpu.enqueue_dma source(%arg16 : memref<40x128xf32, #tpu.memory_space<vmem>>) target(%dma_start3A_69 : memref<40x128xf32, #tpu.memory_space<vmem_shared>>) target_semaphore(%run_scoped3A : memref<!tpu.dma_semaphore, #tpu.memory_space<semaphore_mem>>)
      %dma_wait3A = arith.constant 0 : i32
      %dma_wait3A_70 = tpu.memref_slice %arg25[%add3A_37, %dma_wait3A] : memref<10000x128xf32, #tpu.memory_space<vmem_shared>> -> memref<40x128xf32, #tpu.memory_space<vmem_shared>>
      %dma_wait3A_71 = arith.constant 0 : i32
      %dma_wait3A_72 = tpu.memref_slice %arg25[%add3A_37, %dma_wait3A_71] : memref<10000x128xf32, #tpu.memory_space<vmem_shared>> -> memref<40x128xf32, #tpu.memory_space<vmem_shared>>
      tpu.wait_dma2 semaphore(%run_scoped3A : memref<!tpu.dma_semaphore, #tpu.memory_space<semaphore_mem>>) src(%arg16 : memref<40x128xf32, #tpu.memory_space<vmem>>) dst(%dma_wait3A_72 : memref<40x128xf32, #tpu.memory_space<vmem_shared>>)
      tpu.yield
    }) : () -> ()
    %add3A_38 = arith.constant 520 : i32
    %add3A_39 = arith.addi %multiple_of3A, %add3A_38 : i32
    "tpu.region"() ({
      %run_scoped3A = tpu.sem_alloc : memref<!tpu.dma_semaphore, #tpu.memory_space<semaphore_mem>>
      %dma_start3A = arith.constant 0 : i32
      %dma_start3A_67 = tpu.memref_slice %arg25[%add3A_39, %dma_start3A] : memref<10000x128xf32, #tpu.memory_space<vmem_shared>> -> memref<40x128xf32, #tpu.memory_space<vmem_shared>>
      %dma_start3A_68 = arith.constant 0 : i32
      %dma_start3A_69 = tpu.memref_slice %arg25[%add3A_39, %dma_start3A_68] : memref<10000x128xf32, #tpu.memory_space<vmem_shared>> -> memref<40x128xf32, #tpu.memory_space<vmem_shared>>
      tpu.enqueue_dma source(%arg16 : memref<40x128xf32, #tpu.memory_space<vmem>>) target(%dma_start3A_69 : memref<40x128xf32, #tpu.memory_space<vmem_shared>>) target_semaphore(%run_scoped3A : memref<!tpu.dma_semaphore, #tpu.memory_space<semaphore_mem>>)
      %dma_wait3A = arith.constant 0 : i32
      %dma_wait3A_70 = tpu.memref_slice %arg25[%add3A_39, %dma_wait3A] : memref<10000x128xf32, #tpu.memory_space<vmem_shared>> -> memref<40x128xf32, #tpu.memory_space<vmem_shared>>
      %dma_wait3A_71 = arith.constant 0 : i32
      %dma_wait3A_72 = tpu.memref_slice %arg25[%add3A_39, %dma_wait3A_71] : memref<10000x128xf32, #tpu.memory_space<vmem_shared>> -> memref<40x128xf32, #tpu.memory_space<vmem_shared>>
      tpu.wait_dma2 semaphore(%run_scoped3A : memref<!tpu.dma_semaphore, #tpu.memory_space<semaphore_mem>>) src(%arg16 : memref<40x128xf32, #tpu.memory_space<vmem>>) dst(%dma_wait3A_72 : memref<40x128xf32, #tpu.memory_space<vmem_shared>>)
      tpu.yield
    }) : () -> ()
    %add3A_40 = arith.constant 560 : i32
    %add3A_41 = arith.addi %multiple_of3A, %add3A_40 : i32
    "tpu.region"() ({
      %run_scoped3A = tpu.sem_alloc : memref<!tpu.dma_semaphore, #tpu.memory_space<semaphore_mem>>
      %dma_start3A = arith.constant 0 : i32
      %dma_start3A_67 = tpu.memref_slice %arg25[%add3A_41, %dma_start3A] : memref<10000x128xf32, #tpu.memory_space<vmem_shared>> -> memref<40x128xf32, #tpu.memory_space<vmem_shared>>
      %dma_start3A_68 = arith.constant 0 : i32
      %dma_start3A_69 = tpu.memref_slice %arg25[%add3A_41, %dma_start3A_68] : memref<10000x128xf32, #tpu.memory_space<vmem_shared>> -> memref<40x128xf32, #tpu.memory_space<vmem_shared>>
      tpu.enqueue_dma source(%arg16 : memref<40x128xf32, #tpu.memory_space<vmem>>) target(%dma_start3A_69 : memref<40x128xf32, #tpu.memory_space<vmem_shared>>) target_semaphore(%run_scoped3A : memref<!tpu.dma_semaphore, #tpu.memory_space<semaphore_mem>>)
      %dma_wait3A = arith.constant 0 : i32
      %dma_wait3A_70 = tpu.memref_slice %arg25[%add3A_41, %dma_wait3A] : memref<10000x128xf32, #tpu.memory_space<vmem_shared>> -> memref<40x128xf32, #tpu.memory_space<vmem_shared>>
      %dma_wait3A_71 = arith.constant 0 : i32
      %dma_wait3A_72 = tpu.memref_slice %arg25[%add3A_41, %dma_wait3A_71] : memref<10000x128xf32, #tpu.memory_space<vmem_shared>> -> memref<40x128xf32, #tpu.memory_space<vmem_shared>>
      tpu.wait_dma2 semaphore(%run_scoped3A : memref<!tpu.dma_semaphore, #tpu.memory_space<semaphore_mem>>) src(%arg16 : memref<40x128xf32, #tpu.memory_space<vmem>>) dst(%dma_wait3A_72 : memref<40x128xf32, #tpu.memory_space<vmem_shared>>)
      tpu.yield
    }) : () -> ()
    %add3A_42 = arith.constant 584 : i32
    %add3A_43 = arith.addi %multiple_of3A, %add3A_42 : i32
    "tpu.region"() ({
      %run_scoped3A = tpu.sem_alloc : memref<!tpu.dma_semaphore, #tpu.memory_space<semaphore_mem>>
      %dma_start3A = arith.constant 0 : i32
      %dma_start3A_67 = tpu.memref_slice %arg25[%add3A_43, %dma_start3A] : memref<10000x128xf32, #tpu.memory_space<vmem_shared>> -> memref<40x128xf32, #tpu.memory_space<vmem_shared>>
      %dma_start3A_68 = arith.constant 0 : i32
      %dma_start3A_69 = tpu.memref_slice %arg25[%add3A_43, %dma_start3A_68] : memref<10000x128xf32, #tpu.memory_space<vmem_shared>> -> memref<40x128xf32, #tpu.memory_space<vmem_shared>>
      tpu.enqueue_dma source(%arg16 : memref<40x128xf32, #tpu.memory_space<vmem>>) target(%dma_start3A_69 : memref<40x128xf32, #tpu.memory_space<vmem_shared>>) target_semaphore(%run_scoped3A : memref<!tpu.dma_semaphore, #tpu.memory_space<semaphore_mem>>)
      %dma_wait3A = arith.constant 0 : i32
      %dma_wait3A_70 = tpu.memref_slice %arg25[%add3A_43, %dma_wait3A] : memref<10000x128xf32, #tpu.memory_space<vmem_shared>> -> memref<40x128xf32, #tpu.memory_space<vmem_shared>>
      %dma_wait3A_71 = arith.constant 0 : i32
      %dma_wait3A_72 = tpu.memref_slice %arg25[%add3A_43, %dma_wait3A_71] : memref<10000x128xf32, #tpu.memory_space<vmem_shared>> -> memref<40x128xf32, #tpu.memory_space<vmem_shared>>
      tpu.wait_dma2 semaphore(%run_scoped3A : memref<!tpu.dma_semaphore, #tpu.memory_space<semaphore_mem>>) src(%arg16 : memref<40x128xf32, #tpu.memory_space<vmem>>) dst(%dma_wait3A_72 : memref<40x128xf32, #tpu.memory_space<vmem_shared>>)
      tpu.yield
    }) : () -> ()
    %eq3A = arith.constant 15 : i32
    %eq3A_44 = arith.cmpi eq, %arg1, %eq3A : i32
    %convert_element_type3A = arith.extui %eq3A_44 : i1 to i32
    %cond3A = arith.constant 0 : i32
    %cond3A_45 = arith.cmpi ne, %convert_element_type3A, %cond3A : i32
    scf.if %cond3A_45 {
      %add3A_67 = arith.constant 640 : i32
      %add3A_68 = arith.addi %multiple_of3A, %add3A_67 : i32
      %sub3A = arith.constant 40 : i32
      %sub3A_69 = arith.subi %add3A_68, %sub3A : i32
      "tpu.region"() ({
        %run_scoped3A = tpu.sem_alloc : memref<!tpu.dma_semaphore, #tpu.memory_space<semaphore_mem>>
        %dma_start3A = arith.constant 0 : i32
        %dma_start3A_70 = tpu.memref_slice %arg25[%sub3A_69, %dma_start3A] : memref<10000x128xf32, #tpu.memory_space<vmem_shared>> -> memref<40x128xf32, #tpu.memory_space<vmem_shared>>
        %dma_start3A_71 = arith.constant 0 : i32
        %dma_start3A_72 = tpu.memref_slice %arg25[%sub3A_69, %dma_start3A_71] : memref<10000x128xf32, #tpu.memory_space<vmem_shared>> -> memref<40x128xf32, #tpu.memory_space<vmem_shared>>
        tpu.enqueue_dma source(%arg16 : memref<40x128xf32, #tpu.memory_space<vmem>>) target(%dma_start3A_72 : memref<40x128xf32, #tpu.memory_space<vmem_shared>>) target_semaphore(%run_scoped3A : memref<!tpu.dma_semaphore, #tpu.memory_space<semaphore_mem>>)
        %dma_wait3A = arith.constant 0 : i32
        %dma_wait3A_73 = tpu.memref_slice %arg25[%sub3A_69, %dma_wait3A] : memref<10000x128xf32, #tpu.memory_space<vmem_shared>> -> memref<40x128xf32, #tpu.memory_space<vmem_shared>>
        %dma_wait3A_74 = arith.constant 0 : i32
        %dma_wait3A_75 = tpu.memref_slice %arg25[%sub3A_69, %dma_wait3A_74] : memref<10000x128xf32, #tpu.memory_space<vmem_shared>> -> memref<40x128xf32, #tpu.memory_space<vmem_shared>>
        tpu.wait_dma2 semaphore(%run_scoped3A : memref<!tpu.dma_semaphore, #tpu.memory_space<semaphore_mem>>) src(%arg16 : memref<40x128xf32, #tpu.memory_space<vmem>>) dst(%dma_wait3A_75 : memref<40x128xf32, #tpu.memory_space<vmem_shared>>)
        tpu.yield
      }) : () -> ()
    } else {
    }
    %barrier3A = arith.constant 0 : index
    tpu.barrier barrier_id(%barrier3A)
    %mul3A_46 = arith.constant 10000 : i32
    %mul3A_47 = arith.muli %add3A, %mul3A_46 : i32
    %scan3A_48 = arith.constant 0 : i32
    %scan3A_49 = arith.constant 0 : i32
    %scan3A_50 = arith.constant 250 : i32
    %scan3A_51 = arith.addi %scan3A_49, %scan3A_50 : i32
    %scan3A_52 = arith.constant 1 : i32
    scf.for %scan3A_67 = %scan3A_49 to %scan3A_51 step %scan3A_52  : i32 {
      %mul3A_68 = arith.constant 40 : i32
      %mul3A_69 = arith.muli %scan3A_67, %mul3A_68 : i32
      %add3A_70 = arith.addi %mul3A_47, %mul3A_69 : i32
      %multiple_of3A_71 = tpu.assume_multiple %add3A_70, 8 : i32
      "tpu.region"() ({
        %run_scoped3A = tpu.sem_alloc : memref<!tpu.dma_semaphore, #tpu.memory_space<semaphore_mem>>
        %dma_start3A_140 = tpu.memref_slice %arg5[%multiple_of3A_71] : memref<320000xi32, #tpu.memory_space<hbm>> -> memref<40xi32, #tpu.memory_space<hbm>>
        %dma_start3A_141 = tpu.memref_slice %arg5[%multiple_of3A_71] : memref<320000xi32, #tpu.memory_space<hbm>> -> memref<40xi32, #tpu.memory_space<hbm>>
        tpu.enqueue_dma source(%dma_start3A_141 : memref<40xi32, #tpu.memory_space<hbm>>) target(%arg17 : memref<40xi32, #tpu.memory_space<vmem>>) target_semaphore(%run_scoped3A : memref<!tpu.dma_semaphore, #tpu.memory_space<semaphore_mem>>)
        %dma_wait3A_142 = tpu.memref_slice %arg5[%multiple_of3A_71] : memref<320000xi32, #tpu.memory_space<hbm>> -> memref<40xi32, #tpu.memory_space<hbm>>
        %dma_wait3A_143 = tpu.memref_slice %arg5[%multiple_of3A_71] : memref<320000xi32, #tpu.memory_space<hbm>> -> memref<40xi32, #tpu.memory_space<hbm>>
        tpu.wait_dma2 semaphore(%run_scoped3A : memref<!tpu.dma_semaphore, #tpu.memory_space<semaphore_mem>>) src(%dma_wait3A_143 : memref<40xi32, #tpu.memory_space<hbm>>) dst(%arg17 : memref<40xi32, #tpu.memory_space<vmem>>)
        tpu.yield
      }) : () -> ()
      "tpu.region"() ({
        %run_scoped3A = tpu.sem_alloc : memref<!tpu.dma_semaphore, #tpu.memory_space<semaphore_mem>>
        %dma_start3A_140 = tpu.memref_slice %arg6[%multiple_of3A_71] : memref<320000xi32, #tpu.memory_space<hbm>> -> memref<40xi32, #tpu.memory_space<hbm>>
        %dma_start3A_141 = tpu.memref_slice %arg6[%multiple_of3A_71] : memref<320000xi32, #tpu.memory_space<hbm>> -> memref<40xi32, #tpu.memory_space<hbm>>
        tpu.enqueue_dma source(%dma_start3A_141 : memref<40xi32, #tpu.memory_space<hbm>>) target(%arg18 : memref<40xi32, #tpu.memory_space<vmem>>) target_semaphore(%run_scoped3A : memref<!tpu.dma_semaphore, #tpu.memory_space<semaphore_mem>>)
        %dma_wait3A_142 = tpu.memref_slice %arg6[%multiple_of3A_71] : memref<320000xi32, #tpu.memory_space<hbm>> -> memref<40xi32, #tpu.memory_space<hbm>>
        %dma_wait3A_143 = tpu.memref_slice %arg6[%multiple_of3A_71] : memref<320000xi32, #tpu.memory_space<hbm>> -> memref<40xi32, #tpu.memory_space<hbm>>
        tpu.wait_dma2 semaphore(%run_scoped3A : memref<!tpu.dma_semaphore, #tpu.memory_space<semaphore_mem>>) src(%dma_wait3A_143 : memref<40xi32, #tpu.memory_space<hbm>>) dst(%arg18 : memref<40xi32, #tpu.memory_space<vmem>>)
        tpu.yield
      }) : () -> ()
      "tpu.region"() ({
        %run_scoped3A = tpu.sem_alloc : memref<!tpu.dma_semaphore, #tpu.memory_space<semaphore_mem>>
        %dma_start3A_140 = tpu.memref_slice %arg7[%multiple_of3A_71] : memref<320000xi32, #tpu.memory_space<hbm>> -> memref<40xi32, #tpu.memory_space<hbm>>
        %dma_start3A_141 = tpu.memref_slice %arg7[%multiple_of3A_71] : memref<320000xi32, #tpu.memory_space<hbm>> -> memref<40xi32, #tpu.memory_space<hbm>>
        tpu.enqueue_dma source(%dma_start3A_141 : memref<40xi32, #tpu.memory_space<hbm>>) target(%arg19 : memref<40xi32, #tpu.memory_space<vmem>>) target_semaphore(%run_scoped3A : memref<!tpu.dma_semaphore, #tpu.memory_space<semaphore_mem>>)
        %dma_wait3A_142 = tpu.memref_slice %arg7[%multiple_of3A_71] : memref<320000xi32, #tpu.memory_space<hbm>> -> memref<40xi32, #tpu.memory_space<hbm>>
        %dma_wait3A_143 = tpu.memref_slice %arg7[%multiple_of3A_71] : memref<320000xi32, #tpu.memory_space<hbm>> -> memref<40xi32, #tpu.memory_space<hbm>>
        tpu.wait_dma2 semaphore(%run_scoped3A : memref<!tpu.dma_semaphore, #tpu.memory_space<semaphore_mem>>) src(%dma_wait3A_143 : memref<40xi32, #tpu.memory_space<hbm>>) dst(%arg19 : memref<40xi32, #tpu.memory_space<vmem>>)
        tpu.yield
      }) : () -> ()
      "tpu.region"() ({
        %run_scoped3A = tpu.sem_alloc : memref<!tpu.dma_semaphore, #tpu.memory_space<semaphore_mem>>
        %dma_start3A_140 = tpu.memref_slice %arg8[%multiple_of3A_71] : memref<320000xi32, #tpu.memory_space<hbm>> -> memref<40xi32, #tpu.memory_space<hbm>>
        %dma_start3A_141 = tpu.memref_slice %arg8[%multiple_of3A_71] : memref<320000xi32, #tpu.memory_space<hbm>> -> memref<40xi32, #tpu.memory_space<hbm>>
        tpu.enqueue_dma source(%dma_start3A_141 : memref<40xi32, #tpu.memory_space<hbm>>) target(%arg20 : memref<40xi32, #tpu.memory_space<vmem>>) target_semaphore(%run_scoped3A : memref<!tpu.dma_semaphore, #tpu.memory_space<semaphore_mem>>)
        %dma_wait3A_142 = tpu.memref_slice %arg8[%multiple_of3A_71] : memref<320000xi32, #tpu.memory_space<hbm>> -> memref<40xi32, #tpu.memory_space<hbm>>
        %dma_wait3A_143 = tpu.memref_slice %arg8[%multiple_of3A_71] : memref<320000xi32, #tpu.memory_space<hbm>> -> memref<40xi32, #tpu.memory_space<hbm>>
        tpu.wait_dma2 semaphore(%run_scoped3A : memref<!tpu.dma_semaphore, #tpu.memory_space<semaphore_mem>>) src(%dma_wait3A_143 : memref<40xi32, #tpu.memory_space<hbm>>) dst(%arg20 : memref<40xi32, #tpu.memory_space<vmem>>)
        tpu.yield
      }) : () -> ()
      %dma_start3A = arith.constant 0 : i32
      %dma_start3A_72 = tpu.memref_slice %arg9[%dma_start3A] : memref<10000xi32, #tpu.memory_space<hbm>> -> memref<10000xi32, #tpu.memory_space<hbm>>
      tpu.enqueue_indirect_dma source(%dma_start3A_72 : memref<10000xi32, #tpu.memory_space<hbm>>) target(%arg21 : memref<40xi32, #tpu.memory_space<vmem>>) offsets(%arg19 : memref<40xi32, #tpu.memory_space<vmem>>) semaphore(%arg27 : memref<!tpu.dma_semaphore, #tpu.memory_space<semaphore_mem>>)
      %dma_start3A_73 = arith.constant 0 : i32
      %dma_start3A_74 = arith.constant 0 : i32
      %dma_start3A_75 = tpu.memref_slice %arg2[%dma_start3A_73, %dma_start3A_74] : memref<10000x256xf32, #tpu.memory_space<hbm>> -> memref<10000x256xf32, #tpu.memory_space<hbm>>
      tpu.enqueue_indirect_dma source(%dma_start3A_75 : memref<10000x256xf32, #tpu.memory_space<hbm>>) target(%arg13 : memref<40x256xf32, #tpu.memory_space<vmem>>) offsets(%arg17 : memref<40xi32, #tpu.memory_space<vmem>>) semaphore(%arg26 : memref<!tpu.dma_semaphore, #tpu.memory_space<semaphore_mem>>)
      %dma_start3A_76 = arith.constant 0 : i32
      %dma_start3A_77 = arith.constant 0 : i32
      %dma_start3A_78 = tpu.memref_slice %arg3[%dma_start3A_76, %dma_start3A_77] : memref<10240x256xf32, #tpu.memory_space<hbm>> -> memref<10240x256xf32, #tpu.memory_space<hbm>>
      tpu.enqueue_indirect_dma source(%dma_start3A_78 : memref<10240x256xf32, #tpu.memory_space<hbm>>) target(%arg14 : memref<40x256xf32, #tpu.memory_space<vmem>>) offsets(%arg18 : memref<40xi32, #tpu.memory_space<vmem>>) semaphore(%arg26 : memref<!tpu.dma_semaphore, #tpu.memory_space<semaphore_mem>>)
      %dma_wait3A = arith.constant 0 : i32
      %dma_wait3A_79 = tpu.memref_slice %arg9[%dma_wait3A] : memref<10000xi32, #tpu.memory_space<hbm>> -> memref<10000xi32, #tpu.memory_space<hbm>>
      tpu.wait_indirect_dma semaphore(%arg27 : memref<!tpu.dma_semaphore, #tpu.memory_space<semaphore_mem>>) src(%dma_wait3A_79 : memref<10000xi32, #tpu.memory_space<hbm>>) dst(%arg21 : memref<40xi32, #tpu.memory_space<vmem>>)
      %dma_start3A_80 = arith.constant 0 : i32
      %dma_start3A_81 = arith.constant 0 : i32
      %dma_start3A_82 = tpu.memref_slice %arg4[%dma_start3A_80, %dma_start3A_81] : memref<10240x128xf32, #tpu.memory_space<hbm>> -> memref<10240x128xf32, #tpu.memory_space<hbm>>
      tpu.enqueue_indirect_dma source(%dma_start3A_82 : memref<10240x128xf32, #tpu.memory_space<hbm>>) target(%arg15 : memref<40x128xf32, #tpu.memory_space<vmem>>) offsets(%arg21 : memref<40xi32, #tpu.memory_space<vmem>>) semaphore(%arg26 : memref<!tpu.dma_semaphore, #tpu.memory_space<semaphore_mem>>)
      %dma_wait3A_83 = arith.constant 0 : i32
      %dma_wait3A_84 = arith.constant 0 : i32
      %dma_wait3A_85 = tpu.memref_slice %arg2[%dma_wait3A_83, %dma_wait3A_84] : memref<10000x256xf32, #tpu.memory_space<hbm>> -> memref<10000x256xf32, #tpu.memory_space<hbm>>
      tpu.wait_indirect_dma semaphore(%arg26 : memref<!tpu.dma_semaphore, #tpu.memory_space<semaphore_mem>>) src(%dma_wait3A_85 : memref<10000x256xf32, #tpu.memory_space<hbm>>) dst(%arg13 : memref<40x256xf32, #tpu.memory_space<vmem>>)
      %dma_wait3A_86 = arith.constant 0 : i32
      %dma_wait3A_87 = arith.constant 0 : i32
      %dma_wait3A_88 = tpu.memref_slice %arg3[%dma_wait3A_86, %dma_wait3A_87] : memref<10240x256xf32, #tpu.memory_space<hbm>> -> memref<10240x256xf32, #tpu.memory_space<hbm>>
      tpu.wait_indirect_dma semaphore(%arg26 : memref<!tpu.dma_semaphore, #tpu.memory_space<semaphore_mem>>) src(%dma_wait3A_88 : memref<10240x256xf32, #tpu.memory_space<hbm>>) dst(%arg14 : memref<40x256xf32, #tpu.memory_space<vmem>>)
      %dma_wait3A_89 = arith.constant 0 : i32
      %dma_wait3A_90 = arith.constant 0 : i32
      %dma_wait3A_91 = tpu.memref_slice %arg4[%dma_wait3A_89, %dma_wait3A_90] : memref<10240x128xf32, #tpu.memory_space<hbm>> -> memref<10240x128xf32, #tpu.memory_space<hbm>>
      tpu.wait_indirect_dma semaphore(%arg26 : memref<!tpu.dma_semaphore, #tpu.memory_space<semaphore_mem>>) src(%dma_wait3A_91 : memref<10240x128xf32, #tpu.memory_space<hbm>>) dst(%arg15 : memref<40x128xf32, #tpu.memory_space<vmem>>)
      %get3A = arith.constant 0 : i32
      %get3A_92 = arith.index_cast %get3A : i32 to index
      %get3A_93 = arith.constant 0 : index
      %get3A_94 = tpu.vector_load %arg22[%get3A_92, %get3A_93] {strides = array<i32>} : memref<8x16xf32, #tpu.memory_space<vmem>>, vector<1x16xf32>,
      %get3A_95 = vector.shape_cast %get3A_94 : vector<1x16xf32> to vector<16xf32>
      %get3A_96 = arith.constant 1 : i32
      %get3A_97 = arith.index_cast %get3A_96 : i32 to index
      %get3A_98 = arith.constant 0 : index
      %get3A_99 = tpu.vector_load %arg22[%get3A_97, %get3A_98] {strides = array<i32>} : memref<8x16xf32, #tpu.memory_space<vmem>>, vector<1x16xf32>,
      %get3A_100 = vector.shape_cast %get3A_99 : vector<1x16xf32> to vector<16xf32>
      %get3A_101 = arith.constant 2 : i32
      %get3A_102 = arith.index_cast %get3A_101 : i32 to index
      %get3A_103 = arith.constant 0 : index
      %get3A_104 = tpu.vector_load %arg22[%get3A_102, %get3A_103] {strides = array<i32>} : memref<8x16xf32, #tpu.memory_space<vmem>>, vector<1x16xf32>,
      %get3A_105 = vector.shape_cast %get3A_104 : vector<1x16xf32> to vector<16xf32>
      %get3A_106 = arith.constant 3 : i32
      %get3A_107 = arith.index_cast %get3A_106 : i32 to index
      %get3A_108 = arith.constant 0 : index
      %get3A_109 = tpu.vector_load %arg22[%get3A_107, %get3A_108] {strides = array<i32>} : memref<8x16xf32, #tpu.memory_space<vmem>>, vector<1x16xf32>,
      %get3A_110 = vector.shape_cast %get3A_109 : vector<1x16xf32> to vector<16xf32>
      %get3A_111 = arith.constant 4 : i32
      %get3A_112 = arith.index_cast %get3A_111 : i32 to index
      %get3A_113 = arith.constant 0 : index
      %get3A_114 = tpu.vector_load %arg22[%get3A_112, %get3A_113] {strides = array<i32>} : memref<8x16xf32, #tpu.memory_space<vmem>>, vector<1x16xf32>,
      %get3A_115 = vector.shape_cast %get3A_114 : vector<1x16xf32> to vector<16xf32>
      %get3A_116 = arith.constant 5 : i32
      %get3A_117 = arith.index_cast %get3A_116 : i32 to index
      %get3A_118 = arith.constant 0 : index
      %get3A_119 = tpu.vector_load %arg22[%get3A_117, %get3A_118] {strides = array<i32>} : memref<8x16xf32, #tpu.memory_space<vmem>>, vector<1x16xf32>,
      %get3A_120 = vector.shape_cast %get3A_119 : vector<1x16xf32> to vector<16xf32>
      %get3A_121 = arith.constant 6 : i32
      %get3A_122 = arith.index_cast %get3A_121 : i32 to index
      %get3A_123 = arith.constant 0 : index
      %get3A_124 = tpu.vector_load %arg22[%get3A_122, %get3A_123] {strides = array<i32>} : memref<8x16xf32, #tpu.memory_space<vmem>>, vector<1x16xf32>,
      %get3A_125 = vector.shape_cast %get3A_124 : vector<1x16xf32> to vector<16xf32>
      %get3A_126 = arith.constant 7 : i32
      %get3A_127 = arith.index_cast %get3A_126 : i32 to index
      %get3A_128 = arith.constant 0 : index
      %get3A_129 = tpu.vector_load %arg22[%get3A_127, %get3A_128] {strides = array<i32>} : memref<8x16xf32, #tpu.memory_space<vmem>>, vector<1x16xf32>,
      %get3A_130 = vector.shape_cast %get3A_129 : vector<1x16xf32> to vector<16xf32>
      %get3A_131 = arith.constant 0 : index
      %get3A_132 = tpu.vector_load %arg23[%get3A_131] {strides = array<i32>} : memref<16xf32, #tpu.memory_space<vmem>>, vector<16xf32>,
      %get3A_133 = vector.shape_cast %get3A_132 : vector<16xf32> to vector<16xf32>
      %scan3A_134 = arith.constant 0 : i32
      %scan3A_135 = arith.constant 0 : i32
      %scan3A_136 = arith.constant 40 : i32
      %scan3A_137 = arith.addi %scan3A_135, %scan3A_136 : i32
      %scan3A_138 = arith.constant 1 : i32
      scf.for %scan3A_140 = %scan3A_135 to %scan3A_137 step %scan3A_138  : i32 {
        %broadcast_in_dim3A_141 = arith.constant 0.000000e+00 : f32
        %broadcast_in_dim3A_142 = vector.broadcast %broadcast_in_dim3A_141 : f32 to vector<16xf32>
        %get3A_143 = arith.index_cast %scan3A_140 : i32 to index
        %get3A_144 = arith.constant 0 : index
        %get3A_145 = tpu.vector_load %arg13[%get3A_143, %get3A_144] {strides = array<i32>} : memref<40x256xf32, #tpu.memory_space<vmem>>, vector<1x16xf32>,
        %get3A_146 = vector.shape_cast %get3A_145 : vector<1x16xf32> to vector<16xf32>
        %get3A_147 = arith.index_cast %scan3A_140 : i32 to index
        %get3A_148 = arith.constant 0 : index
        %get3A_149 = tpu.vector_load %arg14[%get3A_147, %get3A_148] {strides = array<i32>} : memref<40x256xf32, #tpu.memory_space<vmem>>, vector<1x16xf32>,
        %get3A_150 = vector.shape_cast %get3A_149 : vector<1x16xf32> to vector<16xf32>
        %add3A_151 = arith.addf %get3A_146, %get3A_150 : vector<16xf32>
        %get3A_152 = arith.index_cast %scan3A_140 : i32 to index
        %get3A_153 = arith.constant 0 : index
        %get3A_154 = tpu.vector_load %arg15[%get3A_152, %get3A_153] {strides = array<i32>} : memref<40x128xf32, #tpu.memory_space<vmem>>, vector<1x16xf32>,
        %get3A_155 = vector.shape_cast %get3A_154 : vector<1x16xf32> to vector<16xf32>
        %add3A_156 = arith.addf %add3A_151, %get3A_155 : vector<16xf32>
        %max3A = arith.constant 0.000000e+00 : f32
        %max3A_157 = vector.broadcast %max3A : f32 to vector<16xf32>
        %max3A_158 = arith.maximumf %add3A_156, %max3A_157 : vector<16xf32>
        %mul3A_159 = arith.mulf %max3A_158, %get3A_95 : vector<16xf32>
        %add3A_160 = arith.addf %broadcast_in_dim3A_142, %mul3A_159 : vector<16xf32>
        %get3A_161 = arith.index_cast %scan3A_140 : i32 to index
        %get3A_162 = arith.constant 16 : index
        %get3A_163 = tpu.vector_load %arg13[%get3A_161, %get3A_162] {strides = array<i32>} : memref<40x256xf32, #tpu.memory_space<vmem>>, vector<1x16xf32>,
        %get3A_164 = vector.shape_cast %get3A_163 : vector<1x16xf32> to vector<16xf32>
        %get3A_165 = arith.index_cast %scan3A_140 : i32 to index
        %get3A_166 = arith.constant 16 : index
        %get3A_167 = tpu.vector_load %arg14[%get3A_165, %get3A_166] {strides = array<i32>} : memref<40x256xf32, #tpu.memory_space<vmem>>, vector<1x16xf32>,
        %get3A_168 = vector.shape_cast %get3A_167 : vector<1x16xf32> to vector<16xf32>
        %add3A_169 = arith.addf %get3A_164, %get3A_168 : vector<16xf32>
        %get3A_170 = arith.index_cast %scan3A_140 : i32 to index
        %get3A_171 = arith.constant 16 : index
        %get3A_172 = tpu.vector_load %arg15[%get3A_170, %get3A_171] {strides = array<i32>} : memref<40x128xf32, #tpu.memory_space<vmem>>, vector<1x16xf32>,
        %get3A_173 = vector.shape_cast %get3A_172 : vector<1x16xf32> to vector<16xf32>
        %add3A_174 = arith.addf %add3A_169, %get3A_173 : vector<16xf32>
        %max3A_175 = arith.constant 0.000000e+00 : f32
        %max3A_176 = vector.broadcast %max3A_175 : f32 to vector<16xf32>
        %max3A_177 = arith.maximumf %add3A_174, %max3A_176 : vector<16xf32>
        %mul3A_178 = arith.mulf %max3A_177, %get3A_100 : vector<16xf32>
        %add3A_179 = arith.addf %add3A_160, %mul3A_178 : vector<16xf32>
        %get3A_180 = arith.index_cast %scan3A_140 : i32 to index
        %get3A_181 = arith.constant 32 : index
        %get3A_182 = tpu.vector_load %arg13[%get3A_180, %get3A_181] {strides = array<i32>} : memref<40x256xf32, #tpu.memory_space<vmem>>, vector<1x16xf32>,
        %get3A_183 = vector.shape_cast %get3A_182 : vector<1x16xf32> to vector<16xf32>
        %get3A_184 = arith.index_cast %scan3A_140 : i32 to index
        %get3A_185 = arith.constant 32 : index
        %get3A_186 = tpu.vector_load %arg14[%get3A_184, %get3A_185] {strides = array<i32>} : memref<40x256xf32, #tpu.memory_space<vmem>>, vector<1x16xf32>,
        %get3A_187 = vector.shape_cast %get3A_186 : vector<1x16xf32> to vector<16xf32>
        %add3A_188 = arith.addf %get3A_183, %get3A_187 : vector<16xf32>
        %get3A_189 = arith.index_cast %scan3A_140 : i32 to index
        %get3A_190 = arith.constant 32 : index
        %get3A_191 = tpu.vector_load %arg15[%get3A_189, %get3A_190] {strides = array<i32>} : memref<40x128xf32, #tpu.memory_space<vmem>>, vector<1x16xf32>,
        %get3A_192 = vector.shape_cast %get3A_191 : vector<1x16xf32> to vector<16xf32>
        %add3A_193 = arith.addf %add3A_188, %get3A_192 : vector<16xf32>
        %max3A_194 = arith.constant 0.000000e+00 : f32
        %max3A_195 = vector.broadcast %max3A_194 : f32 to vector<16xf32>
        %max3A_196 = arith.maximumf %add3A_193, %max3A_195 : vector<16xf32>
        %mul3A_197 = arith.mulf %max3A_196, %get3A_105 : vector<16xf32>
        %add3A_198 = arith.addf %add3A_179, %mul3A_197 : vector<16xf32>
        %get3A_199 = arith.index_cast %scan3A_140 : i32 to index
        %get3A_200 = arith.constant 48 : index
        %get3A_201 = tpu.vector_load %arg13[%get3A_199, %get3A_200] {strides = array<i32>} : memref<40x256xf32, #tpu.memory_space<vmem>>, vector<1x16xf32>,
        %get3A_202 = vector.shape_cast %get3A_201 : vector<1x16xf32> to vector<16xf32>
        %get3A_203 = arith.index_cast %scan3A_140 : i32 to index
        %get3A_204 = arith.constant 48 : index
        %get3A_205 = tpu.vector_load %arg14[%get3A_203, %get3A_204] {strides = array<i32>} : memref<40x256xf32, #tpu.memory_space<vmem>>, vector<1x16xf32>,
        %get3A_206 = vector.shape_cast %get3A_205 : vector<1x16xf32> to vector<16xf32>
        %add3A_207 = arith.addf %get3A_202, %get3A_206 : vector<16xf32>
        %get3A_208 = arith.index_cast %scan3A_140 : i32 to index
        %get3A_209 = arith.constant 48 : index
        %get3A_210 = tpu.vector_load %arg15[%get3A_208, %get3A_209] {strides = array<i32>} : memref<40x128xf32, #tpu.memory_space<vmem>>, vector<1x16xf32>,
        %get3A_211 = vector.shape_cast %get3A_210 : vector<1x16xf32> to vector<16xf32>
        %add3A_212 = arith.addf %add3A_207, %get3A_211 : vector<16xf32>
        %max3A_213 = arith.constant 0.000000e+00 : f32
        %max3A_214 = vector.broadcast %max3A_213 : f32 to vector<16xf32>
        %max3A_215 = arith.maximumf %add3A_212, %max3A_214 : vector<16xf32>
        %mul3A_216 = arith.mulf %max3A_215, %get3A_110 : vector<16xf32>
        %add3A_217 = arith.addf %add3A_198, %mul3A_216 : vector<16xf32>
        %get3A_218 = arith.index_cast %scan3A_140 : i32 to index
        %get3A_219 = arith.constant 64 : index
        %get3A_220 = tpu.vector_load %arg13[%get3A_218, %get3A_219] {strides = array<i32>} : memref<40x256xf32, #tpu.memory_space<vmem>>, vector<1x16xf32>,
        %get3A_221 = vector.shape_cast %get3A_220 : vector<1x16xf32> to vector<16xf32>
        %get3A_222 = arith.index_cast %scan3A_140 : i32 to index
        %get3A_223 = arith.constant 64 : index
        %get3A_224 = tpu.vector_load %arg14[%get3A_222, %get3A_223] {strides = array<i32>} : memref<40x256xf32, #tpu.memory_space<vmem>>, vector<1x16xf32>,
        %get3A_225 = vector.shape_cast %get3A_224 : vector<1x16xf32> to vector<16xf32>
        %add3A_226 = arith.addf %get3A_221, %get3A_225 : vector<16xf32>
        %get3A_227 = arith.index_cast %scan3A_140 : i32 to index
        %get3A_228 = arith.constant 64 : index
        %get3A_229 = tpu.vector_load %arg15[%get3A_227, %get3A_228] {strides = array<i32>} : memref<40x128xf32, #tpu.memory_space<vmem>>, vector<1x16xf32>,
        %get3A_230 = vector.shape_cast %get3A_229 : vector<1x16xf32> to vector<16xf32>
        %add3A_231 = arith.addf %add3A_226, %get3A_230 : vector<16xf32>
        %max3A_232 = arith.constant 0.000000e+00 : f32
        %max3A_233 = vector.broadcast %max3A_232 : f32 to vector<16xf32>
        %max3A_234 = arith.maximumf %add3A_231, %max3A_233 : vector<16xf32>
        %mul3A_235 = arith.mulf %max3A_234, %get3A_115 : vector<16xf32>
        %add3A_236 = arith.addf %add3A_217, %mul3A_235 : vector<16xf32>
        %get3A_237 = arith.index_cast %scan3A_140 : i32 to index
        %get3A_238 = arith.constant 80 : index
        %get3A_239 = tpu.vector_load %arg13[%get3A_237, %get3A_238] {strides = array<i32>} : memref<40x256xf32, #tpu.memory_space<vmem>>, vector<1x16xf32>,
        %get3A_240 = vector.shape_cast %get3A_239 : vector<1x16xf32> to vector<16xf32>
        %get3A_241 = arith.index_cast %scan3A_140 : i32 to index
        %get3A_242 = arith.constant 80 : index
        %get3A_243 = tpu.vector_load %arg14[%get3A_241, %get3A_242] {strides = array<i32>} : memref<40x256xf32, #tpu.memory_space<vmem>>, vector<1x16xf32>,
        %get3A_244 = vector.shape_cast %get3A_243 : vector<1x16xf32> to vector<16xf32>
        %add3A_245 = arith.addf %get3A_240, %get3A_244 : vector<16xf32>
        %get3A_246 = arith.index_cast %scan3A_140 : i32 to index
        %get3A_247 = arith.constant 80 : index
        %get3A_248 = tpu.vector_load %arg15[%get3A_246, %get3A_247] {strides = array<i32>} : memref<40x128xf32, #tpu.memory_space<vmem>>, vector<1x16xf32>,
        %get3A_249 = vector.shape_cast %get3A_248 : vector<1x16xf32> to vector<16xf32>
        %add3A_250 = arith.addf %add3A_245, %get3A_249 : vector<16xf32>
        %max3A_251 = arith.constant 0.000000e+00 : f32
        %max3A_252 = vector.broadcast %max3A_251 : f32 to vector<16xf32>
        %max3A_253 = arith.maximumf %add3A_250, %max3A_252 : vector<16xf32>
        %mul3A_254 = arith.mulf %max3A_253, %get3A_120 : vector<16xf32>
        %add3A_255 = arith.addf %add3A_236, %mul3A_254 : vector<16xf32>
        %get3A_256 = arith.index_cast %scan3A_140 : i32 to index
        %get3A_257 = arith.constant 96 : index
        %get3A_258 = tpu.vector_load %arg13[%get3A_256, %get3A_257] {strides = array<i32>} : memref<40x256xf32, #tpu.memory_space<vmem>>, vector<1x16xf32>,
        %get3A_259 = vector.shape_cast %get3A_258 : vector<1x16xf32> to vector<16xf32>
        %get3A_260 = arith.index_cast %scan3A_140 : i32 to index
        %get3A_261 = arith.constant 96 : index
        %get3A_262 = tpu.vector_load %arg14[%get3A_260, %get3A_261] {strides = array<i32>} : memref<40x256xf32, #tpu.memory_space<vmem>>, vector<1x16xf32>,
        %get3A_263 = vector.shape_cast %get3A_262 : vector<1x16xf32> to vector<16xf32>
        %add3A_264 = arith.addf %get3A_259, %get3A_263 : vector<16xf32>
        %get3A_265 = arith.index_cast %scan3A_140 : i32 to index
        %get3A_266 = arith.constant 96 : index
        %get3A_267 = tpu.vector_load %arg15[%get3A_265, %get3A_266] {strides = array<i32>} : memref<40x128xf32, #tpu.memory_space<vmem>>, vector<1x16xf32>,
        %get3A_268 = vector.shape_cast %get3A_267 : vector<1x16xf32> to vector<16xf32>
        %add3A_269 = arith.addf %add3A_264, %get3A_268 : vector<16xf32>
        %max3A_270 = arith.constant 0.000000e+00 : f32
        %max3A_271 = vector.broadcast %max3A_270 : f32 to vector<16xf32>
        %max3A_272 = arith.maximumf %add3A_269, %max3A_271 : vector<16xf32>
        %mul3A_273 = arith.mulf %max3A_272, %get3A_125 : vector<16xf32>
        %add3A_274 = arith.addf %add3A_255, %mul3A_273 : vector<16xf32>
        %get3A_275 = arith.index_cast %scan3A_140 : i32 to index
        %get3A_276 = arith.constant 112 : index
        %get3A_277 = tpu.vector_load %arg13[%get3A_275, %get3A_276] {strides = array<i32>} : memref<40x256xf32, #tpu.memory_space<vmem>>, vector<1x16xf32>,
        %get3A_278 = vector.shape_cast %get3A_277 : vector<1x16xf32> to vector<16xf32>
        %get3A_279 = arith.index_cast %scan3A_140 : i32 to index
        %get3A_280 = arith.constant 112 : index
        %get3A_281 = tpu.vector_load %arg14[%get3A_279, %get3A_280] {strides = array<i32>} : memref<40x256xf32, #tpu.memory_space<vmem>>, vector<1x16xf32>,
        %get3A_282 = vector.shape_cast %get3A_281 : vector<1x16xf32> to vector<16xf32>
        %add3A_283 = arith.addf %get3A_278, %get3A_282 : vector<16xf32>
        %get3A_284 = arith.index_cast %scan3A_140 : i32 to index
        %get3A_285 = arith.constant 112 : index
        %get3A_286 = tpu.vector_load %arg15[%get3A_284, %get3A_285] {strides = array<i32>} : memref<40x128xf32, #tpu.memory_space<vmem>>, vector<1x16xf32>,
        %get3A_287 = vector.shape_cast %get3A_286 : vector<1x16xf32> to vector<16xf32>
        %add3A_288 = arith.addf %add3A_283, %get3A_287 : vector<16xf32>
        %max3A_289 = arith.constant 0.000000e+00 : f32
        %max3A_290 = vector.broadcast %max3A_289 : f32 to vector<16xf32>
        %max3A_291 = arith.maximumf %add3A_288, %max3A_290 : vector<16xf32>
        %mul3A_292 = arith.mulf %max3A_291, %get3A_130 : vector<16xf32>
        %add3A_293 = arith.addf %add3A_274, %mul3A_292 : vector<16xf32>
        %swap3A_294 = arith.constant 0 : index
        %swap3A_295 = tpu.vector_load %arg24[%swap3A_294] {strides = array<i32>} : memref<32xf32, #tpu.memory_space<vmem>>, vector<16xf32>,
        %swap3A_296 = vector.shape_cast %swap3A_295 : vector<16xf32> to vector<16xf32>
        %swap3A_297 = vector.shape_cast %add3A_293 : vector<16xf32> to vector<16xf32>
        tpu.vector_store %arg24[%swap3A_294], %swap3A_297 {strides = array<i32>} : memref<32xf32, #tpu.memory_space<vmem>>, vector<16xf32>,
        %get3A_298 = arith.constant 8 : index
        %get3A_299 = tpu.vector_load %arg24[%get3A_298] {strides = array<i32>} : memref<32xf32, #tpu.memory_space<vmem>>, vector<16xf32>,
        %get3A_300 = vector.shape_cast %get3A_299 : vector<16xf32> to vector<16xf32>
        %add3A_301 = arith.addf %add3A_293, %get3A_300 : vector<16xf32>
        %slice3A = vector.extract_strided_slice %add3A_301 {offsets = [0], sizes = [1], strides = [1]} : vector<16xf32> to vector<1xf32>
        %squeeze3A = vector.extract %slice3A[0] : f32 from vector<1xf32>
        %slice3A_302 = vector.extract_strided_slice %add3A_301 {offsets = [1], sizes = [1], strides = [1]} : vector<16xf32> to vector<1xf32>
        %squeeze3A_303 = vector.extract %slice3A_302[0] : f32 from vector<1xf32>
        %add3A_304 = arith.addf %squeeze3A, %squeeze3A_303 : f32
        %slice3A_305 = vector.extract_strided_slice %add3A_301 {offsets = [2], sizes = [1], strides = [1]} : vector<16xf32> to vector<1xf32>
        %squeeze3A_306 = vector.extract %slice3A_305[0] : f32 from vector<1xf32>
        %add3A_307 = arith.addf %add3A_304, %squeeze3A_306 : f32
        %slice3A_308 = vector.extract_strided_slice %add3A_301 {offsets = [3], sizes = [1], strides = [1]} : vector<16xf32> to vector<1xf32>
        %squeeze3A_309 = vector.extract %slice3A_308[0] : f32 from vector<1xf32>
        %add3A_310 = arith.addf %add3A_307, %squeeze3A_309 : f32
        %slice3A_311 = vector.extract_strided_slice %add3A_301 {offsets = [4], sizes = [1], strides = [1]} : vector<16xf32> to vector<1xf32>
        %squeeze3A_312 = vector.extract %slice3A_311[0] : f32 from vector<1xf32>
        %add3A_313 = arith.addf %add3A_310, %squeeze3A_312 : f32
        %slice3A_314 = vector.extract_strided_slice %add3A_301 {offsets = [5], sizes = [1], strides = [1]} : vector<16xf32> to vector<1xf32>
        %squeeze3A_315 = vector.extract %slice3A_314[0] : f32 from vector<1xf32>
        %add3A_316 = arith.addf %add3A_313, %squeeze3A_315 : f32
        %slice3A_317 = vector.extract_strided_slice %add3A_301 {offsets = [6], sizes = [1], strides = [1]} : vector<16xf32> to vector<1xf32>
        %squeeze3A_318 = vector.extract %slice3A_317[0] : f32 from vector<1xf32>
        %add3A_319 = arith.addf %add3A_316, %squeeze3A_318 : f32
        %slice3A_320 = vector.extract_strided_slice %add3A_301 {offsets = [7], sizes = [1], strides = [1]} : vector<16xf32> to vector<1xf32>
        %squeeze3A_321 = vector.extract %slice3A_320[0] : f32 from vector<1xf32>
        %add3A_322 = arith.addf %add3A_319, %squeeze3A_321 : f32
        %broadcast_in_dim3A_323 = vector.broadcast %add3A_322 : f32 to vector<16xf32>
        %add3A_324 = arith.addf %broadcast_in_dim3A_323, %get3A_133 : vector<16xf32>
        %neg3A = arith.constant 0.000000e+00 : f32
        %neg3A_325 = vector.broadcast %neg3A : f32 to vector<16xf32>
        %neg3A_326 = arith.subf %neg3A_325, %add3A_324 : vector<16xf32>
        %exp3A = math.exp %neg3A_326 : vector<16xf32>
        %add3A_327 = arith.constant 1.000000e+00 : f32
        %add3A_328 = vector.broadcast %add3A_327 : f32 to vector<16xf32>
        %add3A_329 = arith.addf %add3A_328, %exp3A : vector<16xf32>
        %div3A = arith.constant 1.000000e+00 : f32
        %div3A_330 = vector.broadcast %div3A : f32 to vector<16xf32>
        %div3A_331 = arith.divf %div3A_330, %add3A_329 : vector<16xf32>
        %get3A_332 = arith.index_cast %scan3A_140 : i32 to index
        %get3A_333 = arith.constant 128 : index
        %get3A_334 = tpu.vector_load %arg13[%get3A_332, %get3A_333] {strides = array<i32>} : memref<40x256xf32, #tpu.memory_space<vmem>>, vector<1x16xf32>,
        %get3A_335 = vector.shape_cast %get3A_334 : vector<1x16xf32> to vector<16xf32>
        %get3A_336 = arith.index_cast %scan3A_140 : i32 to index
        %get3A_337 = arith.constant 128 : index
        %get3A_338 = tpu.vector_load %arg14[%get3A_336, %get3A_337] {strides = array<i32>} : memref<40x256xf32, #tpu.memory_space<vmem>>, vector<1x16xf32>,
        %get3A_339 = vector.shape_cast %get3A_338 : vector<1x16xf32> to vector<16xf32>
        %add3A_340 = arith.addf %get3A_335, %get3A_339 : vector<16xf32>
        %mul3A_341 = arith.mulf %add3A_340, %div3A_331 : vector<16xf32>
        %swap3A_342 = arith.index_cast %scan3A_140 : i32 to index
        %swap3A_343 = arith.constant 0 : index
        %swap3A_344 = tpu.vector_load %arg16[%swap3A_342, %swap3A_343] {strides = array<i32>} : memref<40x128xf32, #tpu.memory_space<vmem>>, vector<1x16xf32>,
        %swap3A_345 = vector.shape_cast %swap3A_344 : vector<1x16xf32> to vector<16xf32>
        %swap3A_346 = vector.shape_cast %mul3A_341 : vector<16xf32> to vector<1x16xf32>
        tpu.vector_store %arg16[%swap3A_342, %swap3A_343], %swap3A_346 {strides = array<i32>} : memref<40x128xf32, #tpu.memory_space<vmem>>, vector<1x16xf32>,
        %get3A_347 = arith.index_cast %scan3A_140 : i32 to index
        %get3A_348 = arith.constant 144 : index
        %get3A_349 = tpu.vector_load %arg13[%get3A_347, %get3A_348] {strides = array<i32>} : memref<40x256xf32, #tpu.memory_space<vmem>>, vector<1x16xf32>,
        %get3A_350 = vector.shape_cast %get3A_349 : vector<1x16xf32> to vector<16xf32>
        %get3A_351 = arith.index_cast %scan3A_140 : i32 to index
        %get3A_352 = arith.constant 144 : index
        %get3A_353 = tpu.vector_load %arg14[%get3A_351, %get3A_352] {strides = array<i32>} : memref<40x256xf32, #tpu.memory_space<vmem>>, vector<1x16xf32>,
        %get3A_354 = vector.shape_cast %get3A_353 : vector<1x16xf32> to vector<16xf32>
        %add3A_355 = arith.addf %get3A_350, %get3A_354 : vector<16xf32>
        %mul3A_356 = arith.mulf %add3A_355, %div3A_331 : vector<16xf32>
        %swap3A_357 = arith.index_cast %scan3A_140 : i32 to index
        %swap3A_358 = arith.constant 16 : index
        %swap3A_359 = tpu.vector_load %arg16[%swap3A_357, %swap3A_358] {strides = array<i32>} : memref<40x128xf32, #tpu.memory_space<vmem>>, vector<1x16xf32>,
        %swap3A_360 = vector.shape_cast %swap3A_359 : vector<1x16xf32> to vector<16xf32>
        %swap3A_361 = vector.shape_cast %mul3A_356 : vector<16xf32> to vector<1x16xf32>
        tpu.vector_store %arg16[%swap3A_357, %swap3A_358], %swap3A_361 {strides = array<i32>} : memref<40x128xf32, #tpu.memory_space<vmem>>, vector<1x16xf32>,
        %get3A_362 = arith.index_cast %scan3A_140 : i32 to index
        %get3A_363 = arith.constant 160 : index
        %get3A_364 = tpu.vector_load %arg13[%get3A_362, %get3A_363] {strides = array<i32>} : memref<40x256xf32, #tpu.memory_space<vmem>>, vector<1x16xf32>,
        %get3A_365 = vector.shape_cast %get3A_364 : vector<1x16xf32> to vector<16xf32>
        %get3A_366 = arith.index_cast %scan3A_140 : i32 to index
        %get3A_367 = arith.constant 160 : index
        %get3A_368 = tpu.vector_load %arg14[%get3A_366, %get3A_367] {strides = array<i32>} : memref<40x256xf32, #tpu.memory_space<vmem>>, vector<1x16xf32>,
        %get3A_369 = vector.shape_cast %get3A_368 : vector<1x16xf32> to vector<16xf32>
        %add3A_370 = arith.addf %get3A_365, %get3A_369 : vector<16xf32>
        %mul3A_371 = arith.mulf %add3A_370, %div3A_331 : vector<16xf32>
        %swap3A_372 = arith.index_cast %scan3A_140 : i32 to index
        %swap3A_373 = arith.constant 32 : index
        %swap3A_374 = tpu.vector_load %arg16[%swap3A_372, %swap3A_373] {strides = array<i32>} : memref<40x128xf32, #tpu.memory_space<vmem>>, vector<1x16xf32>,
        %swap3A_375 = vector.shape_cast %swap3A_374 : vector<1x16xf32> to vector<16xf32>
        %swap3A_376 = vector.shape_cast %mul3A_371 : vector<16xf32> to vector<1x16xf32>
        tpu.vector_store %arg16[%swap3A_372, %swap3A_373], %swap3A_376 {strides = array<i32>} : memref<40x128xf32, #tpu.memory_space<vmem>>, vector<1x16xf32>,
        %get3A_377 = arith.index_cast %scan3A_140 : i32 to index
        %get3A_378 = arith.constant 176 : index
        %get3A_379 = tpu.vector_load %arg13[%get3A_377, %get3A_378] {strides = array<i32>} : memref<40x256xf32, #tpu.memory_space<vmem>>, vector<1x16xf32>,
        %get3A_380 = vector.shape_cast %get3A_379 : vector<1x16xf32> to vector<16xf32>
        %get3A_381 = arith.index_cast %scan3A_140 : i32 to index
        %get3A_382 = arith.constant 176 : index
        %get3A_383 = tpu.vector_load %arg14[%get3A_381, %get3A_382] {strides = array<i32>} : memref<40x256xf32, #tpu.memory_space<vmem>>, vector<1x16xf32>,
        %get3A_384 = vector.shape_cast %get3A_383 : vector<1x16xf32> to vector<16xf32>
        %add3A_385 = arith.addf %get3A_380, %get3A_384 : vector<16xf32>
        %mul3A_386 = arith.mulf %add3A_385, %div3A_331 : vector<16xf32>
        %swap3A_387 = arith.index_cast %scan3A_140 : i32 to index
        %swap3A_388 = arith.constant 48 : index
        %swap3A_389 = tpu.vector_load %arg16[%swap3A_387, %swap3A_388] {strides = array<i32>} : memref<40x128xf32, #tpu.memory_space<vmem>>, vector<1x16xf32>,
        %swap3A_390 = vector.shape_cast %swap3A_389 : vector<1x16xf32> to vector<16xf32>
        %swap3A_391 = vector.shape_cast %mul3A_386 : vector<16xf32> to vector<1x16xf32>
        tpu.vector_store %arg16[%swap3A_387, %swap3A_388], %swap3A_391 {strides = array<i32>} : memref<40x128xf32, #tpu.memory_space<vmem>>, vector<1x16xf32>,
        %get3A_392 = arith.index_cast %scan3A_140 : i32 to index
        %get3A_393 = arith.constant 192 : index
        %get3A_394 = tpu.vector_load %arg13[%get3A_392, %get3A_393] {strides = array<i32>} : memref<40x256xf32, #tpu.memory_space<vmem>>, vector<1x16xf32>,
        %get3A_395 = vector.shape_cast %get3A_394 : vector<1x16xf32> to vector<16xf32>
        %get3A_396 = arith.index_cast %scan3A_140 : i32 to index
        %get3A_397 = arith.constant 192 : index
        %get3A_398 = tpu.vector_load %arg14[%get3A_396, %get3A_397] {strides = array<i32>} : memref<40x256xf32, #tpu.memory_space<vmem>>, vector<1x16xf32>,
        %get3A_399 = vector.shape_cast %get3A_398 : vector<1x16xf32> to vector<16xf32>
        %add3A_400 = arith.addf %get3A_395, %get3A_399 : vector<16xf32>
        %mul3A_401 = arith.mulf %add3A_400, %div3A_331 : vector<16xf32>
        %swap3A_402 = arith.index_cast %scan3A_140 : i32 to index
        %swap3A_403 = arith.constant 64 : index
        %swap3A_404 = tpu.vector_load %arg16[%swap3A_402, %swap3A_403] {strides = array<i32>} : memref<40x128xf32, #tpu.memory_space<vmem>>, vector<1x16xf32>,
        %swap3A_405 = vector.shape_cast %swap3A_404 : vector<1x16xf32> to vector<16xf32>
        %swap3A_406 = vector.shape_cast %mul3A_401 : vector<16xf32> to vector<1x16xf32>
        tpu.vector_store %arg16[%swap3A_402, %swap3A_403], %swap3A_406 {strides = array<i32>} : memref<40x128xf32, #tpu.memory_space<vmem>>, vector<1x16xf32>,
        %get3A_407 = arith.index_cast %scan3A_140 : i32 to index
        %get3A_408 = arith.constant 208 : index
        %get3A_409 = tpu.vector_load %arg13[%get3A_407, %get3A_408] {strides = array<i32>} : memref<40x256xf32, #tpu.memory_space<vmem>>, vector<1x16xf32>,
        %get3A_410 = vector.shape_cast %get3A_409 : vector<1x16xf32> to vector<16xf32>
        %get3A_411 = arith.index_cast %scan3A_140 : i32 to index
        %get3A_412 = arith.constant 208 : index
        %get3A_413 = tpu.vector_load %arg14[%get3A_411, %get3A_412] {strides = array<i32>} : memref<40x256xf32, #tpu.memory_space<vmem>>, vector<1x16xf32>,
        %get3A_414 = vector.shape_cast %get3A_413 : vector<1x16xf32> to vector<16xf32>
        %add3A_415 = arith.addf %get3A_410, %get3A_414 : vector<16xf32>
        %mul3A_416 = arith.mulf %add3A_415, %div3A_331 : vector<16xf32>
        %swap3A_417 = arith.index_cast %scan3A_140 : i32 to index
        %swap3A_418 = arith.constant 80 : index
        %swap3A_419 = tpu.vector_load %arg16[%swap3A_417, %swap3A_418] {strides = array<i32>} : memref<40x128xf32, #tpu.memory_space<vmem>>, vector<1x16xf32>,
        %swap3A_420 = vector.shape_cast %swap3A_419 : vector<1x16xf32> to vector<16xf32>
        %swap3A_421 = vector.shape_cast %mul3A_416 : vector<16xf32> to vector<1x16xf32>
        tpu.vector_store %arg16[%swap3A_417, %swap3A_418], %swap3A_421 {strides = array<i32>} : memref<40x128xf32, #tpu.memory_space<vmem>>, vector<1x16xf32>,
        %get3A_422 = arith.index_cast %scan3A_140 : i32 to index
        %get3A_423 = arith.constant 224 : index
        %get3A_424 = tpu.vector_load %arg13[%get3A_422, %get3A_423] {strides = array<i32>} : memref<40x256xf32, #tpu.memory_space<vmem>>, vector<1x16xf32>,
        %get3A_425 = vector.shape_cast %get3A_424 : vector<1x16xf32> to vector<16xf32>
        %get3A_426 = arith.index_cast %scan3A_140 : i32 to index
        %get3A_427 = arith.constant 224 : index
        %get3A_428 = tpu.vector_load %arg14[%get3A_426, %get3A_427] {strides = array<i32>} : memref<40x256xf32, #tpu.memory_space<vmem>>, vector<1x16xf32>,
        %get3A_429 = vector.shape_cast %get3A_428 : vector<1x16xf32> to vector<16xf32>
        %add3A_430 = arith.addf %get3A_425, %get3A_429 : vector<16xf32>
        %mul3A_431 = arith.mulf %add3A_430, %div3A_331 : vector<16xf32>
        %swap3A_432 = arith.index_cast %scan3A_140 : i32 to index
        %swap3A_433 = arith.constant 96 : index
        %swap3A_434 = tpu.vector_load %arg16[%swap3A_432, %swap3A_433] {strides = array<i32>} : memref<40x128xf32, #tpu.memory_space<vmem>>, vector<1x16xf32>,
        %swap3A_435 = vector.shape_cast %swap3A_434 : vector<1x16xf32> to vector<16xf32>
        %swap3A_436 = vector.shape_cast %mul3A_431 : vector<16xf32> to vector<1x16xf32>
        tpu.vector_store %arg16[%swap3A_432, %swap3A_433], %swap3A_436 {strides = array<i32>} : memref<40x128xf32, #tpu.memory_space<vmem>>, vector<1x16xf32>,
        %get3A_437 = arith.index_cast %scan3A_140 : i32 to index
        %get3A_438 = arith.constant 240 : index
        %get3A_439 = tpu.vector_load %arg13[%get3A_437, %get3A_438] {strides = array<i32>} : memref<40x256xf32, #tpu.memory_space<vmem>>, vector<1x16xf32>,
        %get3A_440 = vector.shape_cast %get3A_439 : vector<1x16xf32> to vector<16xf32>
        %get3A_441 = arith.index_cast %scan3A_140 : i32 to index
        %get3A_442 = arith.constant 240 : index
        %get3A_443 = tpu.vector_load %arg14[%get3A_441, %get3A_442] {strides = array<i32>} : memref<40x256xf32, #tpu.memory_space<vmem>>, vector<1x16xf32>,
        %get3A_444 = vector.shape_cast %get3A_443 : vector<1x16xf32> to vector<16xf32>
        %add3A_445 = arith.addf %get3A_440, %get3A_444 : vector<16xf32>
        %mul3A_446 = arith.mulf %add3A_445, %div3A_331 : vector<16xf32>
        %swap3A_447 = arith.index_cast %scan3A_140 : i32 to index
        %swap3A_448 = arith.constant 112 : index
        %swap3A_449 = tpu.vector_load %arg16[%swap3A_447, %swap3A_448] {strides = array<i32>} : memref<40x128xf32, #tpu.memory_space<vmem>>, vector<1x16xf32>,
        %swap3A_450 = vector.shape_cast %swap3A_449 : vector<1x16xf32> to vector<16xf32>
        %swap3A_451 = vector.shape_cast %mul3A_446 : vector<16xf32> to vector<1x16xf32>
        tpu.vector_store %arg16[%swap3A_447, %swap3A_448], %swap3A_451 {strides = array<i32>} : memref<40x128xf32, #tpu.memory_space<vmem>>, vector<1x16xf32>,
      }
      %scan3A_139 = arith.constant 40 : i32
      "tpu.region"() ({
        %run_scoped3A = tpu.sem_alloc : memref<!tpu.dma_semaphore, #tpu.memory_space<semaphore_mem>>
        %dma_start3A_140 = arith.constant 0 : i32
        %dma_start3A_141 = arith.constant 0 : i32
        %dma_start3A_142 = tpu.memref_slice %arg25[%dma_start3A_140, %dma_start3A_141] : memref<10000x128xf32, #tpu.memory_space<vmem_shared>> -> memref<10000x128xf32, #tpu.memory_space<vmem_shared>>
        tpu.enqueue_indirect_dma source(%arg16 : memref<40x128xf32, #tpu.memory_space<vmem>>) target(%dma_start3A_142 : memref<10000x128xf32, #tpu.memory_space<vmem_shared>>) offsets(%arg20 : memref<40xi32, #tpu.memory_space<vmem>>) semaphore(%run_scoped3A : memref<!tpu.dma_semaphore, #tpu.memory_space<semaphore_mem>>) {add = true}
        %dma_wait3A_143 = arith.constant 0 : i32
        %dma_wait3A_144 = arith.constant 0 : i32
        %dma_wait3A_145 = tpu.memref_slice %arg25[%dma_wait3A_143, %dma_wait3A_144] : memref<10000x128xf32, #tpu.memory_space<vmem_shared>> -> memref<10000x128xf32, #tpu.memory_space<vmem_shared>>
        tpu.wait_indirect_dma semaphore(%run_scoped3A : memref<!tpu.dma_semaphore, #tpu.memory_space<semaphore_mem>>) src(%arg16 : memref<40x128xf32, #tpu.memory_space<vmem>>) dst(%dma_wait3A_145 : memref<10000x128xf32, #tpu.memory_space<vmem_shared>>)
        tpu.yield
      }) : () -> ()
    }
    %scan3A_53 = arith.constant 250 : i32
    %barrier3A_54 = arith.constant 0 : index
    tpu.barrier barrier_id(%barrier3A_54)
    %mul3A_55 = arith.constant 624 : i32
    %mul3A_56 = arith.muli %arg1, %mul3A_55 : i32
    %multiple_of3A_57 = tpu.assume_multiple %mul3A_56, 8 : i32
    %lt3A = arith.constant 15 : i32
    %lt3A_58 = arith.cmpi slt, %arg1, %lt3A : i32
    %convert_element_type3A_59 = arith.extui %lt3A_58 : i1 to i32
    %cond3A_60 = arith.constant 0 : i32
    %cond3A_61 = arith.cmpi ne, %convert_element_type3A_59, %cond3A_60 : i32
    scf.if %cond3A_61 {
      "tpu.region"() ({
        %run_scoped3A = tpu.sem_alloc : memref<!tpu.dma_semaphore, #tpu.memory_space<semaphore_mem>>
        %dma_start3A = arith.constant 0 : i32
        %dma_start3A_67 = tpu.memref_slice %arg12[%arg0, %multiple_of3A_57, %dma_start3A] : memref<2x10000x128xf32, #tpu.memory_space<hbm>> -> memref<1x624x128xf32, #tpu.memory_space<hbm>>
        %dma_start3A_68 = tpu.memref_squeeze %dma_start3A_67 : memref<1x624x128xf32, #tpu.memory_space<hbm>> -> memref<624x128xf32, #tpu.memory_space<hbm>>
        %dma_start3A_69 = arith.constant 0 : i32
        %dma_start3A_70 = tpu.memref_slice %arg25[%multiple_of3A_57, %dma_start3A_69] : memref<10000x128xf32, #tpu.memory_space<vmem_shared>> -> memref<624x128xf32, #tpu.memory_space<vmem_shared>>
        tpu.enqueue_dma source(%dma_start3A_70 : memref<624x128xf32, #tpu.memory_space<vmem_shared>>) target(%dma_start3A_68 : memref<624x128xf32, #tpu.memory_space<hbm>>) target_semaphore(%run_scoped3A : memref<!tpu.dma_semaphore, #tpu.memory_space<semaphore_mem>>)
        %dma_wait3A = arith.constant 0 : i32
        %dma_wait3A_71 = tpu.memref_slice %arg12[%arg0, %multiple_of3A_57, %dma_wait3A] : memref<2x10000x128xf32, #tpu.memory_space<hbm>> -> memref<1x624x128xf32, #tpu.memory_space<hbm>>
        %dma_wait3A_72 = tpu.memref_squeeze %dma_wait3A_71 : memref<1x624x128xf32, #tpu.memory_space<hbm>> -> memref<624x128xf32, #tpu.memory_space<hbm>>
        %dma_wait3A_73 = arith.constant 0 : i32
        %dma_wait3A_74 = tpu.memref_slice %arg25[%multiple_of3A_57, %dma_wait3A_73] : memref<10000x128xf32, #tpu.memory_space<vmem_shared>> -> memref<624x128xf32, #tpu.memory_space<vmem_shared>>
        tpu.wait_dma2 semaphore(%run_scoped3A : memref<!tpu.dma_semaphore, #tpu.memory_space<semaphore_mem>>) src(%dma_wait3A_74 : memref<624x128xf32, #tpu.memory_space<vmem_shared>>) dst(%dma_wait3A_72 : memref<624x128xf32, #tpu.memory_space<hbm>>)
        tpu.yield
      }) : () -> ()
    } else {
    }
    %eq3A_62 = arith.constant 15 : i32
    %eq3A_63 = arith.cmpi eq, %arg1, %eq3A_62 : i32
    %convert_element_type3A_64 = arith.extui %eq3A_63 : i1 to i32
    %cond3A_65 = arith.constant 0 : i32
    %cond3A_66 = arith.cmpi ne, %convert_element_type3A_64, %cond3A_65 : i32
    scf.if %cond3A_66 {
      "tpu.region"() ({
        %run_scoped3A = tpu.sem_alloc : memref<!tpu.dma_semaphore, #tpu.memory_space<semaphore_mem>>
        %dma_start3A = arith.constant 0 : i32
        %dma_start3A_67 = tpu.memref_slice %arg12[%arg0, %multiple_of3A_57, %dma_start3A] : memref<2x10000x128xf32, #tpu.memory_space<hbm>> -> memref<1x640x128xf32, #tpu.memory_space<hbm>>
        %dma_start3A_68 = tpu.memref_squeeze %dma_start3A_67 : memref<1x640x128xf32, #tpu.memory_space<hbm>> -> memref<640x128xf32, #tpu.memory_space<hbm>>
        %dma_start3A_69 = arith.constant 0 : i32
        %dma_start3A_70 = tpu.memref_slice %arg25[%multiple_of3A_57, %dma_start3A_69] : memref<10000x128xf32, #tpu.memory_space<vmem_shared>> -> memref<640x128xf32, #tpu.memory_space<vmem_shared>>
        tpu.enqueue_dma source(%dma_start3A_70 : memref<640x128xf32, #tpu.memory_space<vmem_shared>>) target(%dma_start3A_68 : memref<640x128xf32, #tpu.memory_space<hbm>>) target_semaphore(%run_scoped3A : memref<!tpu.dma_semaphore, #tpu.memory_space<semaphore_mem>>)
        %dma_wait3A = arith.constant 0 : i32
        %dma_wait3A_71 = tpu.memref_slice %arg12[%arg0, %multiple_of3A_57, %dma_wait3A] : memref<2x10000x128xf32, #tpu.memory_space<hbm>> -> memref<1x640x128xf32, #tpu.memory_space<hbm>>
        %dma_wait3A_72 = tpu.memref_squeeze %dma_wait3A_71 : memref<1x640x128xf32, #tpu.memory_space<hbm>> -> memref<640x128xf32, #tpu.memory_space<hbm>>
        %dma_wait3A_73 = arith.constant 0 : i32
        %dma_wait3A_74 = tpu.memref_slice %arg25[%multiple_of3A_57, %dma_wait3A_73] : memref<10000x128xf32, #tpu.memory_space<vmem_shared>> -> memref<640x128xf32, #tpu.memory_space<vmem_shared>>
        tpu.wait_dma2 semaphore(%run_scoped3A : memref<!tpu.dma_semaphore, #tpu.memory_space<semaphore_mem>>) src(%dma_wait3A_74 : memref<640x128xf32, #tpu.memory_space<vmem_shared>>) dst(%dma_wait3A_72 : memref<640x128xf32, #tpu.memory_space<hbm>>)
        tpu.yield
      }) : () -> ()
    } else {
    }
    return
  }
}

module attributes {stable_mosaic.version = 14 : i64} {
  func.func @_hidden_proj_body(%arg0: i32, %arg1: memref<400x128xf32, #tpu.memory_space<vmem>>, %arg2: memref<128x128xf32, #tpu.memory_space<vmem>>, %arg3: memref<400x256xf32, #tpu.memory_space<vmem>>) attributes {dimension_semantics = [#tpu.dimension_semantics<arbitrary>], iteration_bounds = array<i64: 25>, scalar_prefetch = 0 : i64, scratch_operands = 0 : i64, tpu.core_type = #tpu.core_type<tc>, window_params = [{transform_indices = @transform_0, window_bounds = array<i64: 400, 128>}, {pipeline_mode = #tpu.pipeline_mode<synchronous>, transform_indices = @transform_1, window_bounds = array<i64: 128, 128>}, {transform_indices = @transform_2, window_bounds = array<i64: 400, 256>}]} {
    %get3A = arith.constant 0 : index
    %get3A_0 = arith.constant 0 : index
    %get3A_1 = vector.load %arg1[%get3A, %get3A_0] : memref<400x128xf32, #tpu.memory_space<vmem>>, vector<400x128xf32>
    %get3A_2 = arith.constant 0 : index
    %get3A_3 = arith.constant 0 : index
    %get3A_4 = vector.load %arg2[%get3A_2, %get3A_3] : memref<128x128xf32, #tpu.memory_space<vmem>>, vector<128x128xf32>
    %dot_general3A = arith.constant dense<0.000000e+00> : vector<400x128xf32>
    %dot_general3A_5 = tpu.matmul %get3A_1, %get3A_4, %dot_general3A {dimension_numbers = #tpu.dot_dimension_numbers<[1], [1], [0], [0], [0, 0, 1, 0], [], []>, precision = #tpu.contract_precision<fp32>, transpose_lhs_hint = false} : vector<400x128xf32>, vector<128x128xf32>, vector<400x128xf32> -> vector<400x128xf32>
    %concatenate3A = tpu.concatenate %dot_general3A_5, %get3A_1 in 1 : vector<400x128xf32>, vector<400x128xf32> -> vector<400x256xf32>
    %swap3A = arith.constant 0 : index
    %swap3A_6 = arith.constant 0 : index
    %swap3A_7 = vector.load %arg3[%swap3A, %swap3A_6] : memref<400x256xf32, #tpu.memory_space<vmem>>, vector<400x256xf32>
    tpu.vector_store %arg3[%swap3A, %swap3A_6], %concatenate3A {strides = array<i32>} : memref<400x256xf32, #tpu.memory_space<vmem>>, vector<400x256xf32>,
    return
  }
  func.func @transform_0(%arg0: i32) -> (i32, i32) {
    %c0_i32 = arith.constant 0 : i32
    %c0_i32_0 = arith.constant 0 : i32
    return %arg0, %c0_i32 : i32, i32
  }
  func.func @transform_1(%arg0: i32) -> (i32, i32) {
    %c0_i32 = arith.constant 0 : i32
    %c0_i32_0 = arith.constant 0 : i32
    %c0_i32_1 = arith.constant 0 : i32
    return %c0_i32, %c0_i32_0 : i32, i32
  }
  func.func @transform_2(%arg0: i32) -> (i32, i32) {
    %c0_i32 = arith.constant 0 : i32
    %c0_i32_0 = arith.constant 0 : i32
    return %arg0, %c0_i32 : i32, i32
  }
}

module attributes {stable_mosaic.version = 14 : i64} {
  func.func @_rel_proj_body(%arg0: i32, %arg1: memref<512x128xf32, #tpu.memory_space<vmem>>, %arg2: memref<128x128xf32, #tpu.memory_space<vmem>>, %arg3: memref<128x128xf32, #tpu.memory_space<vmem>>, %arg4: memref<1x128xf32, #tpu.memory_space<vmem>>, %arg5: memref<512x256xf32, #tpu.memory_space<vmem>>, %arg6: memref<512x128xf32, #tpu.memory_space<vmem>>) attributes {dimension_semantics = [#tpu.dimension_semantics<arbitrary>], iteration_bounds = array<i64: 20>, scalar_prefetch = 0 : i64, scratch_operands = 0 : i64, tpu.core_type = #tpu.core_type<tc>, window_params = [{transform_indices = @transform_0, window_bounds = array<i64: 512, 128>}, {pipeline_mode = #tpu.pipeline_mode<synchronous>, transform_indices = @transform_1, window_bounds = array<i64: 128, 128>}, {pipeline_mode = #tpu.pipeline_mode<synchronous>, transform_indices = @transform_2, window_bounds = array<i64: 128, 128>}, {pipeline_mode = #tpu.pipeline_mode<synchronous>, transform_indices = @transform_3, window_bounds = array<i64: 1, 128>}, {transform_indices = @transform_4, window_bounds = array<i64: 512, 256>}, {transform_indices = @transform_5, window_bounds = array<i64: 512, 128>}]} {
    %get3A = arith.constant 0 : index
    %get3A_0 = arith.constant 0 : index
    %get3A_1 = vector.load %arg1[%get3A, %get3A_0] : memref<512x128xf32, #tpu.memory_space<vmem>>, vector<512x128xf32>
    %get3A_2 = arith.constant 0 : index
    %get3A_3 = arith.constant 0 : index
    %get3A_4 = vector.load %arg2[%get3A_2, %get3A_3] : memref<128x128xf32, #tpu.memory_space<vmem>>, vector<128x128xf32>
    %dot_general3A = arith.constant dense<0.000000e+00> : vector<512x128xf32>
    %dot_general3A_5 = tpu.matmul %get3A_1, %get3A_4, %dot_general3A {dimension_numbers = #tpu.dot_dimension_numbers<[1], [1], [0], [0], [0, 0, 1, 0], [], []>, precision = #tpu.contract_precision<fp32>, transpose_lhs_hint = false} : vector<512x128xf32>, vector<128x128xf32>, vector<512x128xf32> -> vector<512x128xf32>
    %concatenate3A = tpu.concatenate %dot_general3A_5, %get3A_1 in 1 : vector<512x128xf32>, vector<512x128xf32> -> vector<512x256xf32>
    %swap3A = arith.constant 0 : index
    %swap3A_6 = arith.constant 0 : index
    %swap3A_7 = vector.load %arg5[%swap3A, %swap3A_6] : memref<512x256xf32, #tpu.memory_space<vmem>>, vector<512x256xf32>
    tpu.vector_store %arg5[%swap3A, %swap3A_6], %concatenate3A {strides = array<i32>} : memref<512x256xf32, #tpu.memory_space<vmem>>, vector<512x256xf32>,
    %get3A_8 = arith.constant 0 : index
    %get3A_9 = arith.constant 0 : index
    %get3A_10 = vector.load %arg3[%get3A_8, %get3A_9] : memref<128x128xf32, #tpu.memory_space<vmem>>, vector<128x128xf32>
    %dot_general3A_11 = arith.constant dense<0.000000e+00> : vector<512x128xf32>
    %dot_general3A_12 = tpu.matmul %get3A_1, %get3A_10, %dot_general3A_11 {dimension_numbers = #tpu.dot_dimension_numbers<[1], [1], [0], [0], [0, 0, 1, 0], [], []>, precision = #tpu.contract_precision<fp32>, transpose_lhs_hint = false} : vector<512x128xf32>, vector<128x128xf32>, vector<512x128xf32> -> vector<512x128xf32>
    %get3A_13 = arith.constant 0 : index
    %get3A_14 = arith.constant 0 : index
    %get3A_15 = vector.load %arg4[%get3A_13, %get3A_14] : memref<1x128xf32, #tpu.memory_space<vmem>>, vector<1x128xf32>
    %add3A = vector.broadcast %get3A_15 : vector<1x128xf32> to vector<512x128xf32>
    %add3A_16 = arith.addf %dot_general3A_12, %add3A : vector<512x128xf32>
    %swap3A_17 = arith.constant 0 : index
    %swap3A_18 = arith.constant 0 : index
    %swap3A_19 = vector.load %arg6[%swap3A_17, %swap3A_18] : memref<512x128xf32, #tpu.memory_space<vmem>>, vector<512x128xf32>
    tpu.vector_store %arg6[%swap3A_17, %swap3A_18], %add3A_16 {strides = array<i32>} : memref<512x128xf32, #tpu.memory_space<vmem>>, vector<512x128xf32>,
    return
  }
  func.func @transform_0(%arg0: i32) -> (i32, i32) {
    %c0_i32 = arith.constant 0 : i32
    %c0_i32_0 = arith.constant 0 : i32
    return %arg0, %c0_i32 : i32, i32
  }
  func.func @transform_1(%arg0: i32) -> (i32, i32) {
    %c0_i32 = arith.constant 0 : i32
    %c0_i32_0 = arith.constant 0 : i32
    %c0_i32_1 = arith.constant 0 : i32
    return %c0_i32, %c0_i32_0 : i32, i32
  }
  func.func @transform_2(%arg0: i32) -> (i32, i32) {
    %c0_i32 = arith.constant 0 : i32
    %c0_i32_0 = arith.constant 0 : i32
    %c0_i32_1 = arith.constant 0 : i32
    return %c0_i32, %c0_i32_0 : i32, i32
  }
  func.func @transform_3(%arg0: i32) -> (i32, i32) {
    %c0_i32 = arith.constant 0 : i32
    %c0_i32_0 = arith.constant 0 : i32
    %c0_i32_1 = arith.constant 0 : i32
    return %c0_i32, %c0_i32_0 : i32, i32
  }
  func.func @transform_4(%arg0: i32) -> (i32, i32) {
    %c0_i32 = arith.constant 0 : i32
    %c0_i32_0 = arith.constant 0 : i32
    return %arg0, %c0_i32 : i32, i32
  }
  func.func @transform_5(%arg0: i32) -> (i32, i32) {
    %c0_i32 = arith.constant 0 : i32
    %c0_i32_0 = arith.constant 0 : i32
    return %arg0, %c0_i32 : i32, i32
  }
}

module attributes {stable_mosaic.version = 14 : i64} {
  func.func @_final_body(%arg0: i32, %arg1: memref<2x400x128xf32, #tpu.memory_space<vmem>>, %arg2: memref<128x128xf32, #tpu.memory_space<vmem>>, %arg3: memref<400x128xf32, #tpu.memory_space<vmem>>) attributes {dimension_semantics = [#tpu.dimension_semantics<arbitrary>], iteration_bounds = array<i64: 25>, scalar_prefetch = 0 : i64, scratch_operands = 0 : i64, tpu.core_type = #tpu.core_type<tc>, window_params = [{transform_indices = @transform_0, window_bounds = array<i64: 2, 400, 128>}, {pipeline_mode = #tpu.pipeline_mode<synchronous>, transform_indices = @transform_1, window_bounds = array<i64: 128, 128>}, {transform_indices = @transform_2, window_bounds = array<i64: 400, 128>}]} {
    %get3A = arith.constant 0 : index
    %get3A_0 = arith.constant 0 : index
    %get3A_1 = arith.constant 0 : index
    %get3A_2 = vector.load %arg1[%get3A, %get3A_0, %get3A_1] : memref<2x400x128xf32, #tpu.memory_space<vmem>>, vector<1x400x128xf32>
    %get3A_3 = vector.shape_cast %get3A_2 : vector<1x400x128xf32> to vector<400x128xf32>
    %get3A_4 = arith.constant 1 : index
    %get3A_5 = arith.constant 0 : index
    %get3A_6 = arith.constant 0 : index
    %get3A_7 = vector.load %arg1[%get3A_4, %get3A_5, %get3A_6] : memref<2x400x128xf32, #tpu.memory_space<vmem>>, vector<1x400x128xf32>
    %get3A_8 = vector.shape_cast %get3A_7 : vector<1x400x128xf32> to vector<400x128xf32>
    %add3A = arith.addf %get3A_3, %get3A_8 : vector<400x128xf32>
    %get3A_9 = arith.constant 0 : index
    %get3A_10 = arith.constant 0 : index
    %get3A_11 = vector.load %arg2[%get3A_9, %get3A_10] : memref<128x128xf32, #tpu.memory_space<vmem>>, vector<128x128xf32>
    %dot_general3A = arith.constant dense<0.000000e+00> : vector<400x128xf32>
    %dot_general3A_12 = tpu.matmul %add3A, %get3A_11, %dot_general3A {dimension_numbers = #tpu.dot_dimension_numbers<[1], [1], [0], [0], [0, 0, 1, 0], [], []>, precision = #tpu.contract_precision<fp32>, transpose_lhs_hint = false} : vector<400x128xf32>, vector<128x128xf32>, vector<400x128xf32> -> vector<400x128xf32>
    %swap3A = arith.constant 0 : index
    %swap3A_13 = arith.constant 0 : index
    %swap3A_14 = vector.load %arg3[%swap3A, %swap3A_13] : memref<400x128xf32, #tpu.memory_space<vmem>>, vector<400x128xf32>
    tpu.vector_store %arg3[%swap3A, %swap3A_13], %dot_general3A_12 {strides = array<i32>} : memref<400x128xf32, #tpu.memory_space<vmem>>, vector<400x128xf32>,
    return
  }
  func.func @transform_0(%arg0: i32) -> (i32, i32, i32) {
    %c0_i32 = arith.constant 0 : i32
    %c0_i32_0 = arith.constant 0 : i32
    %c0_i32_1 = arith.constant 0 : i32
    return %c0_i32, %arg0, %c0_i32_0 : i32, i32, i32
  }
  func.func @transform_1(%arg0: i32) -> (i32, i32) {
    %c0_i32 = arith.constant 0 : i32
    %c0_i32_0 = arith.constant 0 : i32
    %c0_i32_1 = arith.constant 0 : i32
    return %c0_i32, %c0_i32_0 : i32, i32
  }
  func.func @transform_2(%arg0: i32) -> (i32, i32) {
    %c0_i32 = arith.constant 0 : i32
    %c0_i32_0 = arith.constant 0 : i32
    return %arg0, %c0_i32 : i32, i32
  }
}

</mosaic_0001>

<sc_bundles>
// kernel: kernel.6.cloned.1.call-start
scs
__scs_entry_jumppad:
0x0: {  	(pc) =	sbr.rel $0x88, $3  }
0x1: {  	(tag) =	ssettag $0x0;
	lr =	simm.s32 $0x1  }
0x2: {  	[smem:$0x3F95] =	sst lr;
	_ =	strace $0xD0000000  }
0x3: {  	_ = 	snop  }
0x4: {  	_ = 	snop  }
0x5: {  	_ = 	snop  }
0x6: {  	_ = 	snop  }
0x7: {  	_ = 	snop  }
__scs_overlays_trampoline_lowered:
0x8: {  	[smem:$0x3FA4] =	sst s0  }
0x9: {  	[smem:$0x3FA5] =	sst s1  }
0xa: {  	[smem:$0x3FA6] =	sst s2  }
0xb: {  	[smem:$0x3FA7] =	sst s3  }
0xc: {  	[smem:$0x3FA8] =	sst s4  }
0xd: {  	[smem:$0x3FA9] =	sst s5  }
0xe: {  	[smem:$0x3FAA] =	sst s6  }
0xf: {  	[smem:$0x3FAB] =	sst s7  }
0x10: {  	[smem:$0x3FAC] =	sst s8  }
0x11: {  	[smem:$0x3FAD] =	sst s9;
	s0 =	simm.s32 @!p0 $0x0  }
0x12: {  	s1 =	sld [smem:$0x3F93];
	s0 =	simm.s32 @p0 $0x1  }
0x13: {  	[smem:$0x3FAE] =	sst s0;
	s0 =	simm.s32 @!p1 $0x0  }
0x14: {  	s2 =	sld [smem:$0x3F92];
	s0 =	simm.s32 @p1 $0x1  }
0x15: {  	[smem:$0x3FAF] =	sst s0;
	s0 =	simm.s32 @!p2 $0x0  }
0x16: {  	s3 =	sld [smem:$0x3FDB];
	s0 =	simm.s32 @p2 $0x1  }
0x17: {  	s4 =	simm.s32 $0x1BF5;
	[smem:$0x3FB1] =	sst s0  }
0x18: {  	s0 =	sld [smem:$0x3F94];
	_ =	swait.ge [sflag:s4], $0x0  }
0x19: {  	s7 =	sld [smem:$0x3F95]  }
0x1a: {  	s8 =	sadd.s32 $0xFFFFE003, lr  }
0x1b: {  	s9 =	sadd.s32 $0xFFFFFEF7, lr;
	s5 =	simm.s32 $0xFFFFFFFF;
	p2 =	slt.u32 s8, $0xFFFFF086  }
0x1c: {  	p1 =	slt.u32 s9, $0xF7A;
	s5 =	simm.s32 @!p2 $0x0  }
0x1d: {  	s5 =	simm.s32 @p1 $0x1;
	p0 =	seq.s32 s7, s2  }
0x1e: {  	s7 =	smul.u32 @!p0 $0xF7A, s2;
	p2 =	seq.s32 @!p0 s5, $0x0  }
0x1f: {  	s9 =	smul.u32 $0xF7A, s1;
	s8 =	simm.s32 @!p0 $0x1BF5;
	p2 =	por !p2, p0  }
0x20: {  	[sflag:s8] =	ssyncset.s32 @!p0 $0xFFFFF086;
	s6 =	sadd.s32 @!p0 s3, s7;
	s7 =	simm.s32 @!p0 $0x108  }
0x21: {  	s3 =	sadd.s32 s3, s9;
	s6 =	sadd.s32 @!p0 $0x88, s6;
	s7 =	simm.s32 @p2 $0x1082  }
0x22: {  	[simem:s7], [sflag:s8] =	dma.local @!p0 [hbm:s6], $0xF7A  }
0x23: {  	s9 =	sor.u32 $0xD0000000, s2;
	s6 =	simm.s32 $0x108;
	_ =	swait.ge @!p0 [sflag:s8], $0x0  }
0x24: {  	s3 =	sadd.s32 $0x88, s3;
	s6 =	simm.s32 @!p1 $0x1082;
	[sflag:s4] =	ssyncset.s32 $0xFFFFF086  }
0x25: {  	[simem:s6], [sflag:s4] =	dma.local [hbm:s3], $0xF7A  }
0x26: {  	[smem:$0x3F95] =	sst s1;
	(tag) =	ssettag s2;
	_ =	strace s9  }
0x27: {  	s1 =	sld [smem:$0x3FA5]  }
0x28: {  	s2 =	sld [smem:$0x3FA6]  }
0x29: {  	s4 =	sld [smem:$0x3FA8]  }
0x2a: {  	p0 =	seq.s32 s5, $0x0;
	s5 =	sld [smem:$0x3FA9]  }
0x2b: {  	s6 =	sld [smem:$0x3FAA]  }
0x2c: {  	s7 =	sld [smem:$0x3FAB]  }
0x2d: {  	s3 =	simm.s32 $0x108;
	s8 =	sld [smem:$0x3FAC]  }
0x2e: {  	s3 =	simm.s32 @!p0 $0x1082;
	s9 =	sld [smem:$0x3FAD]  }
0x2f: {  	lr =	sadd.s32 s0, s3;
	s0 =	sld [smem:$0x3FA4]  }
0x30: {  	s3 =	sld [smem:$0x3FA7]  }
0x31: {  	[smem:$0x3FB0] =	sst s10  }
0x32: {  	s10 =	sld [smem:$0x3FAE];
	_ =	sdelay $0x3  }
0x33: {  	p0 =	seq.s32 s10, $0x1;
	s10 =	sld [smem:$0x3FB0];
	_ =	sdelay $0x3  }
0x34: {  	[smem:$0x3FB0] =	sst s10  }
0x35: {  	s10 =	sld [smem:$0x3FAF];
	_ =	sdelay $0x3  }
0x36: {  	p1 =	seq.s32 s10, $0x1;
	s10 =	sld [smem:$0x3FB0];
	_ =	sdelay $0x3  }
0x37: {  	[smem:$0x3FB0] =	sst s10  }
0x38: {  	s10 =	sld [smem:$0x3FB1]  }
0x39: {  	_ = 	snop;
	(pc) =	sbr.ind lr, $3  }
0x3a: {  	_ = 	snop  }
0x3b: {  	_ = 	snop  }
0x3c: {  	p2 =	seq.s32 s10, $0x1;
	s10 =	sld [smem:$0x3FB0]  }
0x3d: {  	_ =	shalt  }
0x3e: {  	_ =	shalt  }
0x3f: {  	_ =	shalt  }
0x40: {  	_ =	shalt  }
0x41: {  	_ =	shalt  }
0x42: {  	_ =	shalt  }
0x43: {  	_ =	shalt  }
0x44: {  	_ =	shalt  }
0x45: {  	_ =	shalt  }
0x46: {  	_ =	shalt  }
0x47: {  	_ =	shalt  }
0x48: {  	_ =	shalt  }
0x49: {  	_ =	shalt  }
0x4a: {  	_ =	shalt  }
0x4b: {  	_ =	shalt  }
0x4c: {  	_ =	shalt  }
0x4d: {  	_ =	shalt  }
0x4e: {  	_ =	shalt  }
0x4f: {  	_ =	shalt  }
0x50: {  	_ =	shalt  }
0x51: {  	_ =	shalt  }
0x52: {  	_ =	shalt  }
0x53: {  	_ =	shalt  }
0x54: {  	_ =	shalt  }
0x55: {  	_ =	shalt  }
0x56: {  	_ =	shalt  }
0x57: {  	_ =	shalt  }
0x58: {  	_ =	shalt  }
0x59: {  	_ =	shalt  }
0x5a: {  	_ =	shalt  }
0x5b: {  	_ =	shalt  }
0x5c: {  	_ =	shalt  }
0x5d: {  	_ =	shalt  }
0x5e: {  	_ =	shalt  }
0x5f: {  	_ =	shalt  }
0x60: {  	_ =	shalt  }
0x61: {  	_ =	shalt  }
0x62: {  	_ =	shalt  }
0x63: {  	_ =	shalt  }
0x64: {  	_ =	shalt  }
0x65: {  	_ =	shalt  }
0x66: {  	_ =	shalt  }
0x67: {  	_ =	shalt  }
0x68: {  	_ =	shalt  }
0x69: {  	_ =	shalt  }
0x6a: {  	_ =	shalt  }
0x6b: {  	_ =	shalt  }
0x6c: {  	_ =	shalt  }
0x6d: {  	_ =	shalt  }
0x6e: {  	_ =	shalt  }
0x6f: {  	_ =	shalt  }
0x70: {  	_ =	shalt  }
0x71: {  	_ =	shalt  }
0x72: {  	_ =	shalt  }
0x73: {  	_ =	shalt  }
0x74: {  	_ =	shalt  }
0x75: {  	_ =	shalt  }
0x76: {  	_ =	shalt  }
0x77: {  	_ =	shalt  }
0x78: {  	_ =	shalt  }
0x79: {  	_ =	shalt  }
0x7a: {  	_ =	shalt  }
0x7b: {  	_ =	shalt  }
0x7c: {  	_ =	shalt  }
0x7d: {  	_ =	shalt  }
0x7e: {  	_ =	shalt  }
0x7f: {  	_ =	shalt  }
0x80: {  	_ =	shalt  }
0x81: {  	_ =	shalt  }
0x82: {  	_ =	shalt  }
0x83: {  	_ =	shalt  }
0x84: {  	_ =	shalt  }
0x85: {  	_ =	shalt  }
0x86: {  	_ =	shalt  }
0x87: {  	_ =	shalt  }
.Lfunc_end0:
.L_simem_size_0:
called_computation_lowered:
.L_overlay_start_0:
0x88: {  	s2 =	sld [smem:$0x3FD9]  }
0x89: {  	s3 =	sld [smem:$0x3FFE];
	_ =	sdelay $0x1  }
0x8a: {  	s1 =	srdreg.scid  }
0x8b: {  	s0 =	sand.u32 $0x1, s1  }
0x8c: {  	s17 =	sshll.u32 s0, $0xA;
	s2 =	sadd.s32 s3, s2  }
0x8d: {  	s2 =	sadd.s32 s2, s17  }
0x8e: {  	[smem:$0x3FBC] =	sst s2  }
0x8f: {  	_ = 	snop  }
0x90: {  	s2 =	sld [smem:$0x3FC7]  }
0x91: {  	s18 =	sld [smem:$0x3FD0];
	(tm) =	ssettm $0x1  }
0x92: {  	s4 =	sld [smem:$0x3FFB];
	_ =	sdelay $0x3  }
0x93: {  	_ =	strace s4  }
0x94: {  	s4 =	sld [smem:$0x3FFC];
	_ =	sdelay $0x3  }
0x95: {  	_ =	strace s4  }
0x96: {  	s4 =	sld [smem:$0x3FFD];
	_ =	sdelay $0x3  }
0x97: {  	_ =	strace s4  }
0x98: {  	_ =	strace $0x8FFFFFFF  }
0x99: {  	s19 =	sld [smem:$0x3FDB];
	_ =	sdelay $0x1  }
0x9a: {  	s5 =	simm.s32 $_scs_section_size  }
0x9b: {  	s6 =	simm.s32 $_size__tile_overlayer_lowered;
	s7 =	simm.s32 $_tile_overlayer_lowered  }
0x9c: {  	s22 =	simm.s32 $0x1BFF;
	s21 =	sshll.u32 s7, $0x1;
	s4 =	sadd.s32 s5, s19  }
0x9d: {  	s8 =	simm.s32 $0x0;
	s20 =	sshll.u32 s6, $0x1;
	s6 =	sadd.s32 s21, s4  }
0x9e: {  	[timem:s8], [sflag:s22] =	dma.local [hbm:s6], s20  }
0x9f: {  	_ =	swait.ge [sflag:s22], s20  }
0xa0: {  	s5 =	ssub.s32 $0x0, s20;
	[sflag:s22] =	ssyncset.done $0x0  }
0xa1: {  	[sflag:s22] =	ssyncadd.s32 s5;
	_ =	sdelay $0x1  }
0xa2: {  	s23 =	simm.s32 $0x1B8B  }
0xa3: {  	_ =	swait.ge [sflag:s23], $0x1  }
0xa4: {  	[sflag:s23] =	ssyncset.done $0x0  }
0xa5: {  	s25 =	simm.s32 $0x1B8E;
	s24 =	sld [smem:$0x3FFE];
	[sflag:s23] =	ssyncadd.s32 $0xFFFFFFFF  }
0xa6: {  	s26 =	simm.s32 $execute0_lowered;
	[smem:$0x3FD2] =	sst s25  }
0xa7: {  	s6 =	sshll.u32 s26, $0x1;
	_ =	strace $0x80000046;
	[dreg:$0x1] =	wrdreg $0xFFFFFFFF  }
0xa8: {  	s28 =	simm.s32 $_size_execute0_lowered;
	s4 =	sadd.s32 s4, s6;
	[dreg:$0x0] =	wrdreg $0x0  }
0xa9: {  	s6 =	sshll.u32 s28, $0x1;
	[dreg:$0x2] =	wrdreg s4  }
0xaa: {  	[dreg:$0x3] =	wrdreg s6  }
0xab: {  	[dreg:$0x4] =	wrdreg $0xC0  }
0xac: {  	_ =	task [dreg:s8], $0x5FFFF  }
0xad: {  	[dreg:$0x1] =	wrdreg $0xFFFFFFFF  }
0xae: {  	[dreg:$0x0] =	wrdreg $0x60  }
0xaf: {  	[dreg:$0x2] =	wrdreg s24  }
0xb0: {  	[dreg:$0x3] =	wrdreg s18  }
0xb1: {  	[dreg:$0x4] =	wrdreg s2  }
0xb2: {  	[dreg:$0x5] =	wrdreg $0x7F800  }
0xb3: {  	[dreg:$0x6] =	wrdreg $0x9  }
0xb4: {  	_ =	task.clear_ibuf [dreg:s8], $0x7FFFF;
	_ =	strace $0x90000046  }
0xb5: {  	s29 =	simm.s32 $0x9;
	_ =	strace $0x80000048  }
0xb6: {  	_ =	swait.ge [sflag:s29], $0x1  }
0xb7: {  	[sflag:s29] =	ssyncadd.s32 $0xFFFFFFFF  }
0xb8: {  	_ =	strace $0x90000048  }
0xb9: {  	_ =	sfence  }
0xba: {  	s30 =	sld [smem:$0x0];
	_ =	sdelay $0x2  }
0xbb: {  	s31 =	sshll.u32 s1, $0xD;
	s1 =	sshrl.u32 s1, $0x2  }
0xbc: {  	s3 =	sand.u32 $0x4000, s31;
	s1 =	sadd.s32 s1, s30  }
0xbd: {  	s0 =	sor.u32 s3, s0;
	s1 =	sshll.u32 s1, $0x11  }
0xbe: {  	s0 =	sor.u32 s1, s0  }
0xbf: {  	s0 =	sadd.s32 $0x8F2B, s0  }
0xc0: {  	[sflag:s0] =	ssyncadd.remote.s32 $0x1  }
0xc1: {  	_ =	sfence.sel $0xFFFF  }
0xc2: {  	[dreg:$0x0] =	wrdreg $0xFFFFFFFF;
	(pc) =	sbr.abs _section_cstart, $3  }
0xc3: {  	[dreg:$0x1] =	wrdreg $0xFFFFFFFF  }
0xc4: {  	_ =	task.clear_ibuf [dreg:s8], $0x2FFFF;
	_ =	strace $0x9FFFFFFF  }
0xc5: {  	(tm) =	ssettm $0x7FFFFFFF  }
tec
execute0_lowered:
.L_overlay_start_1:
0x0: {  	(tag) =	ssettag $0x1  }
0x1: {  	s0 =	rddreg [dreg:$0x0]  }
0x2: {  	s12 =	rddreg [dreg:$0x3];
	s1 =	simm.s32 $0x0  }
0x3: {  	s17 =	srdreg.scid;
	s13 =	stileid.u32;
	s28 =	simm.s32 $0x2800  }
0x4: {  	s29 =	simm.s32 $0x3000;
	s30 =	simm.s32 $0x3800;
	s31 =	simm.s32 $0x4000  }
0x5: {  	[smem:$0x7FF] =	sst s1;
	s5 =	sadd.s32 $0x15400, s0;
	s6 =	sadd.s32 $0x63600, s0  }
0x6: {  	s7 =	sadd.s32 $0xB3600, s0;
	s9 =	sadd.s32 $0xB600, s0;
	s10 =	sadd.s32 $0x1800, s0  }
0x7: {  	s11 =	sadd.s32 $0x1200, s0;
	s2 =	sadd.s32 $0x1000, s0;
	s1 =	sand.u32 $0x1, s17  }
0x8: {  	s18 =	smul.u32 $0x4E000, s13;
	s3 =	sadd.s32 $0xDB600, s0;
	s0 =	sadd.s32 $0xDB800, s0  }
0x9: {  	s20 =	smul.u32 $0x13800, s13;
	p0 =	sne.s32 s13, $0xF;
	p1 =	seq.s32 s13, $0xF  }
0xa: {  	_ =	strace $0x80000047;
	[dreg:$0x5] =	wrdreg s2;
	s2 =	sshrl.u32 s18, $0x2  }
0xb: {  	[dreg:$0x6] =	wrdreg s3;
	s19 =	ssub.s32 $0x2, s1;
	s14 =	sadd.s32 s2, s12  }
0xc: {  	s8 =	smul.u32 $0x138800, s1;
	s21 =	sadd.s32 $0x1400, s14;
	[dreg:$0x7] =	wrdreg s14  }
0xd: {  	s1 =	sshll.u32 s1, $0x4;
	s22 =	sadd.s32 $0x2800, s14;
	[dreg:$0x8] =	wrdreg s21  }
0xe: {  	s4 =	sshrl.u32 s19, $0x1;
	s23 =	sadd.s32 $0x3C00, s14;
	[dreg:$0x9] =	wrdreg s22  }
0xf: {  	s1 =	sor.u32 s13, s1;
	s24 =	sadd.s32 $0x5000, s14;
	[dreg:$0xa] =	wrdreg s23  }
0x10: {  	s13 =	simm.s32 $0x3;
	s25 =	sadd.s32 $0x6400, s14;
	[dreg:$0xb] =	wrdreg s24  }
0x11: {  	s3 =	ssub.s32 s19, s4;
	s26 =	sadd.s32 $0x7800, s14;
	[dreg:$0xc] =	wrdreg s25  }
0x12: {  	s2 =	sadd.s32 s20, s8;
	s15 =	sadd.s32 $0x8C00, s14;
	[dreg:$0xd] =	wrdreg s26  }
0x13: {  	s8 =	sshrl.u32 s8, $0x3;
	s16 =	smax.u32 s3, $0x1;
	[dreg:$0xf] =	wrdreg s15  }
0x14: {  	s4 =	simm.s32 $0x5000;
	s17 =	sadd.s32 $0xA000, s14;
	[dreg:$0x11] =	wrdreg s16  }
0x15: {  	s2 =	sshrl.u32 s2, $0x3;
	s18 =	sadd.s32 $0xB400, s14;
	[dreg:$0x12] =	wrdreg s17  }
0x16: {  	s19 =	sadd.s32 $0xC800, s14;
	s20 =	sadd.s32 $0xDC00, s14;
	[dreg:$0x13] =	wrdreg s18  }
0x17: {  	s3 =	simm.s32 $0x0;
	s2 =	sadd.s32 s0, s2;
	[dreg:$0x14] =	wrdreg s19  }
0x18: {  	s0 =	sadd.s32 s0, s8;
	s23 =	smul.u32 $0x2710, s1;
	[dreg:$0x15] =	wrdreg s20  }
0x19: {  	s21 =	sadd.s32 $0xF000, s14;
	s22 =	sadd.s32 $0x10400, s14;
	[dreg:$0xe] =	wrdreg s2  }
0x1a: {  	s24 =	sadd.s32 $0x11800, s14;
	s25 =	sadd.s32 $0x12400, s14;
	[dreg:$0x16] =	wrdreg s21  }
0x1b: {  	s26 =	sadd.s32 $0x137400, s12;
	s15 =	simm.s32 $0x6400;
	[dreg:$0x17] =	wrdreg s22  }
0x1c: {  	s18 =	simm.s32 $0x7900;
	s19 =	simm.s32 $0x7980;
	[dreg:$0x18] =	wrdreg s24  }
0x1d: {  	v3 =	vlaneseq.u32;
	s20 =	simm.s32 $0x28;
	s8 =	simm.s32 $0x2;
	[dreg:$0x19] =	wrdreg s25  }
0x1e: {  	v0 =	vimm.f32 $0.0e+00;
	vm0 =	vmmov $0xffff;
	v2 =	vshrl.u32 v3, $0x3;
	s12 =	simm.s32 $0x1;
	s0 =	sadd.s32 $0x24900, s0;
	[dreg:$0x1a] =	wrdreg s26  }
0x1f: {  	v1 =	vand.u32 $0x7, v3;
	v3 =	vor.u32 $0x8, v3;
	v2 =	vmul.u32 $0x8, v2;
	s21 =	simm.s32 $0x7A00;
	[dreg:$0x10] =	wrdreg s0;
	s0 =	simm.s32 $0x4800  }
.LBB2_1:
0x20: {  	[dreg:$0x1b] =	wrdreg s3  }
0x21: {  	s1 =	simm.s32 $0x0;
	s2 =	rddreg [dreg:$0x5];
	s24 =	simm.s32 $0x7A80  }
0x22: {  	[tilespmem:s24], [sflag:$0x3] =	stream.linear.gather [hbm4b:s2+s1], $0x400, $0x38;
	[tilespmem:$0x1B800] =	vst v63  }
0x23: {  	_ =	swait.ge [sflag:s13], $0x400  }
0x24: {  	[sflag:s13] =	ssyncset.done $0x0  }
0x25: {  	s26 =	simm.s32 $0x7E80;
	s25 =	rddreg [dreg:$0x6];
	[sflag:s13] =	ssyncadd.s32 $0xFFFFFC00  }
0x26: {  	[tilespmem:s26], [sflag:$0x3] =	stream.linear.gather [hbm4b:s25+s1], $0x80, $0x38;
	[tilespmem:$0x1B800] =	vst v63  }
0x27: {  	_ =	swait.ge [sflag:s13], $0x80  }
0x28: {  	[sflag:s13] =	ssyncset.done $0x0  }
0x29: {  	s2 =	simm.s32 $0x200;
	s1 =	simm.s32 $0x0;
	[sflag:s13] =	ssyncadd.s32 $0xFFFFFF80  }
.LBB2_2:
0x2a: {  	p2 =	sne.s32 s2, $0x4E00;
	[tilespmem:s1+$0x6470] =	vst v0  }
0x2b: {  	[tilespmem:s1+$0x6400] =	vst v0  }
0x2c: {  	[tilespmem:s1+$0x6410] =	vst v0  }
.Ltmp0:
0x2d: {  	[tilespmem:s1+$0x6420] =	vst v0;
	(pc) =	sbr.rel @p2 .LBB2_2-.Ltmp0, $4  }
0x2e: {  	[tilespmem:s1+$0x6430] =	vst v0  }
0x2f: {  	[tilespmem:s1+$0x6440] =	vst v0  }
0x30: {  	[tilespmem:s1+$0x6450] =	vst v0  }
0x31: {  	[tilespmem:s1+$0x6460] =	vst v0;
	s1 =	sshra.s32 s2, $0x2;
	s2 =	sadd.s32 $0x200, s2  }
0x32: {  	[tilespmem:s1+$0x6470] =	vst v0  }
0x33: {  	[tilespmem:s1+$0x6400] =	vst v0  }
0x34: {  	[tilespmem:s1+$0x6410] =	vst v0  }
0x35: {  	[tilespmem:s1+$0x6420] =	vst v0  }
0x36: {  	[tilespmem:s1+$0x6430] =	vst v0  }
0x37: {  	[tilespmem:s1+$0x6440] =	vst v0  }
0x38: {  	[tilespmem:s1+$0x6450] =	vst v0  }
0x39: {  	[tilespmem:s1+$0x6460] =	vst v0  }
0x3a: {  	[tilespmem:$0x7F10] =	vst v0  }
0x3b: {  	[spmem:s14] =	stream.linear.scatter [tilespmem:s15], [sflag:$0x3], $0x1400, $0x38;
	[tilespmem:$0x1B800] =	vst v63  }
0x3c: {  	_ =	swait.ge [sflag:s13], $0x1400  }
0x3d: {  	[sflag:s13] =	ssyncset.done $0x0  }
0x3e: {  	s16 =	rddreg [dreg:$0x8];
	[sflag:s13] =	ssyncadd.s32 $0xFFFFEC00  }
0x3f: {  	[spmem:s16] =	stream.linear.scatter [tilespmem:s15], [sflag:$0x3], $0x1400, $0x38;
	[tilespmem:$0x1B800] =	vst v63  }
0x40: {  	_ =	swait.ge [sflag:s13], $0x1400  }
0x41: {  	[sflag:s13] =	ssyncset.done $0x0  }
0x42: {  	s17 =	rddreg [dreg:$0x9];
	[sflag:s13] =	ssyncadd.s32 $0xFFFFEC00  }
0x43: {  	[spmem:s17] =	stream.linear.scatter [tilespmem:s15], [sflag:$0x3], $0x1400, $0x38;
	[tilespmem:$0x1B800] =	vst v63  }
0x44: {  	_ =	swait.ge [sflag:s13], $0x1400  }
0x45: {  	[sflag:s13] =	ssyncset.done $0x0  }
0x46: {  	s22 =	rddreg [dreg:$0xa];
	[sflag:s13] =	ssyncadd.s32 $0xFFFFEC00  }
0x47: {  	[spmem:s22] =	stream.linear.scatter [tilespmem:s15], [sflag:$0x3], $0x1400, $0x38;
	[tilespmem:$0x1B800] =	vst v63  }
0x48: {  	_ =	swait.ge [sflag:s13], $0x1400  }
0x49: {  	[sflag:s13] =	ssyncset.done $0x0  }
0x4a: {  	s24 =	rddreg [dreg:$0xb];
	[sflag:s13] =	ssyncadd.s32 $0xFFFFEC00  }
0x4b: {  	[spmem:s24] =	stream.linear.scatter [tilespmem:s15], [sflag:$0x3], $0x1400, $0x38;
	[tilespmem:$0x1B800] =	vst v63  }
0x4c: {  	_ =	swait.ge [sflag:s13], $0x1400  }
0x4d: {  	[sflag:s13] =	ssyncset.done $0x0  }
0x4e: {  	s25 =	rddreg [dreg:$0xc];
	[sflag:s13] =	ssyncadd.s32 $0xFFFFEC00  }
0x4f: {  	[spmem:s25] =	stream.linear.scatter [tilespmem:s15], [sflag:$0x3], $0x1400, $0x38;
	[tilespmem:$0x1B800] =	vst v63  }
0x50: {  	_ =	swait.ge [sflag:s13], $0x1400  }
0x51: {  	[sflag:s13] =	ssyncset.done $0x0  }
0x52: {  	s26 =	rddreg [dreg:$0xd];
	[sflag:s13] =	ssyncadd.s32 $0xFFFFEC00  }
0x53: {  	[spmem:s26] =	stream.linear.scatter [tilespmem:s15], [sflag:$0x3], $0x1400, $0x38;
	[tilespmem:$0x1B800] =	vst v63  }
0x54: {  	_ =	swait.ge [sflag:s13], $0x1400  }
0x55: {  	[sflag:s13] =	ssyncset.done $0x0  }
0x56: {  	s2 =	rddreg [dreg:$0xf];
	[sflag:s13] =	ssyncadd.s32 $0xFFFFEC00  }
0x57: {  	[spmem:s2] =	stream.linear.scatter [tilespmem:s15], [sflag:$0x3], $0x1400, $0x38;
	[tilespmem:$0x1B800] =	vst v63  }
0x58: {  	_ =	swait.ge [sflag:s13], $0x1400  }
0x59: {  	[sflag:s13] =	ssyncset.done $0x0  }
0x5a: {  	s3 =	rddreg [dreg:$0x12];
	[sflag:s13] =	ssyncadd.s32 $0xFFFFEC00  }
0x5b: {  	[spmem:s3] =	stream.linear.scatter [tilespmem:s15], [sflag:$0x3], $0x1400, $0x38;
	[tilespmem:$0x1B800] =	vst v63  }
0x5c: {  	_ =	swait.ge [sflag:s13], $0x1400  }
0x5d: {  	[sflag:s13] =	ssyncset.done $0x0  }
0x5e: {  	s14 =	rddreg [dreg:$0x13];
	[sflag:s13] =	ssyncadd.s32 $0xFFFFEC00  }
0x5f: {  	[spmem:s14] =	stream.linear.scatter [tilespmem:s15], [sflag:$0x3], $0x1400, $0x38;
	[tilespmem:$0x1B800] =	vst v63  }
0x60: {  	_ =	swait.ge [sflag:s13], $0x1400  }
0x61: {  	[sflag:s13] =	ssyncset.done $0x0  }
0x62: {  	s16 =	rddreg [dreg:$0x14];
	[sflag:s13] =	ssyncadd.s32 $0xFFFFEC00  }
0x63: {  	[spmem:s16] =	stream.linear.scatter [tilespmem:s15], [sflag:$0x3], $0x1400, $0x38;
	[tilespmem:$0x1B800] =	vst v63  }
0x64: {  	_ =	swait.ge [sflag:s13], $0x1400  }
0x65: {  	[sflag:s13] =	ssyncset.done $0x0  }
0x66: {  	s17 =	rddreg [dreg:$0x15];
	[sflag:s13] =	ssyncadd.s32 $0xFFFFEC00  }
0x67: {  	[spmem:s17] =	stream.linear.scatter [tilespmem:s15], [sflag:$0x3], $0x1400, $0x38;
	[tilespmem:$0x1B800] =	vst v63  }
0x68: {  	_ =	swait.ge [sflag:s13], $0x1400  }
0x69: {  	[sflag:s13] =	ssyncset.done $0x0  }
0x6a: {  	s22 =	rddreg [dreg:$0x16];
	[sflag:s13] =	ssyncadd.s32 $0xFFFFEC00  }
0x6b: {  	[spmem:s22] =	stream.linear.scatter [tilespmem:s15], [sflag:$0x3], $0x1400, $0x38;
	[tilespmem:$0x1B800] =	vst v63  }
0x6c: {  	_ =	swait.ge [sflag:s13], $0x1400  }
0x6d: {  	[sflag:s13] =	ssyncset.done $0x0  }
0x6e: {  	s24 =	rddreg [dreg:$0x17];
	[sflag:s13] =	ssyncadd.s32 $0xFFFFEC00  }
0x6f: {  	[spmem:s24] =	stream.linear.scatter [tilespmem:s15], [sflag:$0x3], $0x1400, $0x38;
	[tilespmem:$0x1B800] =	vst v63  }
0x70: {  	_ =	swait.ge [sflag:s13], $0x1400  }
0x71: {  	[sflag:s13] =	ssyncset.done $0x0  }
0x72: {  	s25 =	rddreg [dreg:$0x18];
	[sflag:s13] =	ssyncadd.s32 $0xFFFFEC00  }
0x73: {  	[spmem:s25] =	stream.linear.scatter [tilespmem:s15], [sflag:$0x3], $0x1400, $0x38;
	[tilespmem:$0x1B800] =	vst v63  }
0x74: {  	_ =	swait.ge [sflag:s13], $0x1400  }
0x75: {  	[sflag:s13] =	ssyncset.done $0x0  }
0x76: {  	s26 =	rddreg [dreg:$0x19];
	[sflag:s13] =	ssyncadd.s32 $0xFFFFEC00  }
0x77: {  	[spmem:s26] =	stream.linear.scatter [tilespmem:s15], [sflag:$0x3], $0x1400, $0x38;
	[tilespmem:$0x1B800] =	vst v63  }
0x78: {  	_ =	swait.ge [sflag:s13], $0x1400  }
0x79: {  	[sflag:s13] =	ssyncset.done $0x0  }
0x7a: {  	s1 =	simm.s32 @!p0 $0x6400;
	s2 =	rddreg [dreg:$0x1a];
	[sflag:s13] =	ssyncadd.s32 $0xFFFFEC00  }
0x7b: {  	[spmem:s2] =	stream.linear.scatter @!p0 [tilespmem:s1], [sflag:$0x3], $0x1400, $0x38;
	[tilespmem:$0x1B800] =	vst v63  }
0x7c: {  	s1 =	simm.s32 @!p0 $0x3  }
0x7d: {  	_ =	swait.ge @!p0 [sflag:s1], $0x1400  }
0x7e: {  	[sflag:s1] =	ssyncset.done @!p0 $0x0  }
0x7f: {  	[sflag:s1] =	ssyncadd.s32 @!p0 $0xFFFFEC00  }
0x80: {  	s14 =	simm.s32 $0x0;
	s1 =	simm.s32 $0x0;
	[bflag:$0x0] =	sbarrier.arrive $0xFFFF  }
.LBB2_4:
0x81: {  	s2 =	smul.u32 $0x28, s1;
	_ =	sdelay $0x1  }
0x82: {  	s2 =	sadd.s32 s23, s2  }
0x83: {  	s2 =	sshrl.u32 s2, $0x3  }
0x84: {  	s16 =	simm.s32 $0x7800;
	s3 =	sadd.s32 s9, s2  }
0x85: {  	[tilespmem:s16], [sflag:$0x3] =	stream.linear.gather [hbm4b:s3+s14], $0x28, $0x38;
	[tilespmem:$0x1B800] =	vst v63  }
0x86: {  	_ =	swait.ge [sflag:s13], $0x28  }
0x87: {  	[sflag:s13] =	ssyncset.done $0x0  }
0x88: {  	s17 =	simm.s32 $0x7880;
	s16 =	sadd.s32 s10, s2;
	[sflag:s13] =	ssyncadd.s32 $0xFFFFFFD8  }
0x89: {  	[tilespmem:s17], [sflag:$0x3] =	stream.linear.gather [hbm4b:s16+s14], $0x28, $0x38;
	[tilespmem:$0x1B800] =	vst v63  }
0x8a: {  	_ =	swait.ge [sflag:s13], $0x28  }
0x8b: {  	[sflag:s13] =	ssyncset.done $0x0  }
0x8c: {  	[sflag:s13] =	ssyncadd.s32 $0xFFFFFFD8  }
0x8d: {  	s22 =	rddreg [dreg:$0x1]  }
0x8e: {  	s3 =	sadd.s32 s22, s2  }
0x8f: {  	[tilespmem:s18], [sflag:$0x3] =	stream.linear.gather [hbm4b:s3+s14], $0x28, $0x38;
	[tilespmem:$0x1B800] =	vst v63  }
0x90: {  	_ =	swait.ge [sflag:s13], $0x28  }
0x91: {  	[sflag:s13] =	ssyncset.done $0x0  }
0x92: {  	[sflag:s13] =	ssyncadd.s32 $0xFFFFFFD8  }
0x93: {  	s24 =	rddreg [dreg:$0x2]  }
0x94: {  	s2 =	sadd.s32 s24, s2  }
0x95: {  	[tilespmem:s19], [sflag:$0x3] =	stream.linear.gather [hbm4b:s2+s14], $0x28, $0x38;
	[tilespmem:$0x1B800] =	vst v63  }
0x96: {  	_ =	swait.ge [sflag:s13], $0x28  }
0x97: {  	[sflag:s13] =	ssyncset.done $0x0  }
0x98: {  	[sflag:s13] =	ssyncadd.s32 $0xFFFFFFD8  }
0x99: {  	[tilespmem:s21], [sflag:$0x2] =	stream.indirect.gather [hbm4b:s11+s20], $0x1, s18, s20, $0xb8;
	[tilespmem:$0x1B800] =	vst v63  }
0x9a: {  	v4 =	vld [tilespmem:$0x7800];
	_ =	sdelay $0x4  }
0x9b: {  	v5 =	vshll.u32 v4, $0x1  }
0x9c: {  	v4 =	vand.u32 $0x7, v4;
	v5 =	vand.u32 $0xFFFFFFF0, v5  }
0x9d: {  	v4 =	vor.u32 v4, v5  }
0x9e: {  	v5 =	vperm.xlane v4, v1;
	_ =	sdelay $0x1  }
0x9f: {  	v4 =	vperm.xlane v4, v3;
	v5 =	vadd.s32 v2, v5;
	_ =	sdelay $0x1  }
0xa0: {  	v4 =	vadd.s32 v2, v4;
	_ =	sdelay $0x2  }
0xa1: {  	[tilespmem:s14], [sflag:$0x1] =	stream.indirect_vreg.gather [hbm4b:s5+s14], $0x80, v5, vm0, $0xb8;
	[tilespmem:$0x1B800] =	vst v63  }
0xa2: {  	s25 =	simm.s32 $0x800  }
0xa3: {  	[tilespmem:s25], [sflag:$0x1] =	stream.indirect_vreg.gather [hbm4b:s5+s14], $0x80, v4, vm0, $0xb8;
	[tilespmem:$0x1B800] =	vst v63  }
0xa4: {  	v4 =	vld [tilespmem:$0x7810];
	_ =	sdelay $0x4  }
0xa5: {  	v5 =	vshll.u32 v4, $0x1  }
0xa6: {  	v4 =	vand.u32 $0x7, v4;
	v5 =	vand.u32 $0xFFFFFFF0, v5  }
0xa7: {  	v4 =	vor.u32 v4, v5  }
0xa8: {  	v5 =	vperm.xlane v4, v1;
	_ =	sdelay $0x1  }
0xa9: {  	v4 =	vperm.xlane v4, v3;
	v5 =	vadd.s32 v2, v5;
	_ =	sdelay $0x1  }
0xaa: {  	v4 =	vadd.s32 v2, v4;
	_ =	sdelay $0x1  }
0xab: {  	s26 =	simm.s32 $0x1000  }
0xac: {  	[tilespmem:s26], [sflag:$0x1] =	stream.indirect_vreg.gather [hbm4b:s5+s14], $0x80, v5, vm0, $0xb8;
	[tilespmem:$0x1B800] =	vst v63  }
0xad: {  	s3 =	simm.s32 $0x1800  }
0xae: {  	[tilespmem:s3], [sflag:$0x1] =	stream.indirect_vreg.gather [hbm4b:s5+s14], $0x80, v4, vm0, $0xb8;
	[tilespmem:$0x1B800] =	vst v63  }
0xaf: {  	v4 =	vld.msk [tilespmem:$0x7820], $0xff;
	_ =	sdelay $0x4  }
0xb0: {  	v5 =	vshll.u32 v4, $0x1  }
0xb1: {  	v4 =	vand.u32 $0x7, v4;
	v5 =	vand.u32 $0xFFFFFFF0, v5  }
0xb2: {  	v4 =	vor.u32 v4, v5  }
0xb3: {  	v4 =	vperm.xlane v4, v1;
	_ =	sdelay $0x1  }
0xb4: {  	v4 =	vadd.s32 v2, v4;
	_ =	sdelay $0x3  }
0xb5: {  	s16 =	simm.s32 $0x2000  }
0xb6: {  	[tilespmem:s16], [sflag:$0x1] =	stream.indirect_vreg.gather [hbm4b:s5+s14], $0x80, v4, vm0, $0xb8;
	[tilespmem:$0x1B800] =	vst v63  }
0xb7: {  	v4 =	vld [tilespmem:$0x7880];
	_ =	sdelay $0x4  }
0xb8: {  	v5 =	vshll.u32 v4, $0x1  }
0xb9: {  	v4 =	vand.u32 $0x7, v4;
	v5 =	vand.u32 $0xFFFFFFF0, v5  }
0xba: {  	v4 =	vor.u32 v4, v5  }
0xbb: {  	v5 =	vperm.xlane v4, v1;
	_ =	sdelay $0x1  }
0xbc: {  	v4 =	vperm.xlane v4, v3;
	v5 =	vadd.s32 v2, v5;
	_ =	sdelay $0x1  }
0xbd: {  	v4 =	vadd.s32 v2, v4;
	_ =	sdelay $0x2  }
0xbe: {  	[tilespmem:s28], [sflag:$0x1] =	stream.indirect_vreg.gather [hbm4b:s6+s14], $0x80, v5, vm0, $0xb8;
	[tilespmem:$0x1B800] =	vst v63  }
0xbf: {  	_ = 	snop  }
0xc0: {  	[tilespmem:s29], [sflag:$0x1] =	stream.indirect_vreg.gather [hbm4b:s6+s14], $0x80, v4, vm0, $0xb8;
	[tilespmem:$0x1B800] =	vst v63  }
0xc1: {  	v4 =	vld [tilespmem:$0x7890];
	_ =	sdelay $0x4  }
0xc2: {  	v5 =	vshll.u32 v4, $0x1  }
0xc3: {  	v4 =	vand.u32 $0x7, v4;
	v5 =	vand.u32 $0xFFFFFFF0, v5  }
0xc4: {  	v4 =	vor.u32 v4, v5  }
0xc5: {  	v5 =	vperm.xlane v4, v1;
	_ =	sdelay $0x1  }
0xc6: {  	v4 =	vperm.xlane v4, v3;
	v5 =	vadd.s32 v2, v5;
	_ =	sdelay $0x1  }
0xc7: {  	v4 =	vadd.s32 v2, v4;
	_ =	sdelay $0x2  }
0xc8: {  	[tilespmem:s30], [sflag:$0x1] =	stream.indirect_vreg.gather [hbm4b:s6+s14], $0x80, v5, vm0, $0xb8;
	[tilespmem:$0x1B800] =	vst v63  }
0xc9: {  	_ = 	snop  }
0xca: {  	[tilespmem:s31], [sflag:$0x1] =	stream.indirect_vreg.gather [hbm4b:s6+s14], $0x80, v4, vm0, $0xb8;
	[tilespmem:$0x1B800] =	vst v63  }
0xcb: {  	v4 =	vld.msk [tilespmem:$0x78A0], $0xff;
	_ =	sdelay $0x4  }
0xcc: {  	v5 =	vshll.u32 v4, $0x1  }
0xcd: {  	v4 =	vand.u32 $0x7, v4;
	v5 =	vand.u32 $0xFFFFFFF0, v5  }
0xce: {  	v4 =	vor.u32 v4, v5  }
0xcf: {  	v4 =	vperm.xlane v4, v1;
	_ =	sdelay $0x1  }
0xd0: {  	v4 =	vadd.s32 v2, v4;
	_ =	sdelay $0x4  }
0xd1: {  	[tilespmem:s0], [sflag:$0x1] =	stream.indirect_vreg.gather [hbm4b:s6+s14], $0x80, v4, vm0, $0xb8;
	[tilespmem:$0x1B800] =	vst v63  }
0xd2: {  	_ =	swait.ge [sflag:s8], $0x28  }
0xd3: {  	[sflag:s8] =	ssyncset.done $0x0  }
0xd4: {  	[sflag:s8] =	ssyncadd.s32 $0xFFFFFFD8  }
0xd5: {  	[tilespmem:s4], [sflag:$0x1] =	stream.indirect.gather [hbm4b:s7+s20], $0x80, s21, s20, $0xb8;
	[tilespmem:$0x1B800] =	vst v63  }
0xd6: {  	_ =	swait.ge [sflag:s12], $0x2800  }
0xd7: {  	[sflag:s12] =	ssyncset.done $0x0  }
0xd8: {  	[sflag:s12] =	ssyncadd.s32 $0xFFFFD800  }
0xd9: {  	_ =	swait.ge [sflag:s12], $0x2800  }
0xda: {  	[sflag:s12] =	ssyncset.done $0x0  }
0xdb: {  	[sflag:s12] =	ssyncadd.s32 $0xFFFFD800  }
0xdc: {  	_ =	swait.ge [sflag:s12], $0x1400  }
0xdd: {  	[sflag:s12] =	ssyncset.done $0x0  }
0xde: {  	[sflag:s12] =	ssyncadd.s32 $0xFFFFEC00  }
0xdf: {  	v4 =	vld [tilespmem:$0x7A80]  }
0xe0: {  	v5 =	vld [tilespmem:$0x7B00]  }
0xe1: {  	v6 =	vld [tilespmem:$0x7B80]  }
0xe2: {  	v7 =	vld [tilespmem:$0x7C00]  }
0xe3: {  	s2 =	simm.s32 $0x5040;
	v8 =	vld [tilespmem:$0x7C80]  }
0xe4: {  	v12 =	vld [tilespmem:s2+$0x20]  }
0xe5: {  	v11 =	vld [tilespmem:s2+$0x10]  }
0xe6: {  	v10 =	vld [tilespmem:s2+$0x0]  }
0xe7: {  	v9 =	vld [tilespmem:s2+$0xFFFFFFF0]  }
0xe8: {  	s17 =	sand.u32 $0x3800, s14;
	s22 =	sand.u32 $0x380, s14;
	v13 =	vld [tilespmem:s2+$0xFFFFFFE0]  }
0xe9: {  	s3 =	sor.u32 s22, s17;
	v14 =	vld [tilespmem:s2+$0xFFFFFFD0]  }
0xea: {  	v15 =	vld [tilespmem:s3+$0x10]  }
0xeb: {  	v16 =	vld [tilespmem:s3+$0x0]  }
0xec: {  	v17 =	vld [tilespmem:s3+$0x2800]  }
0xed: {  	v18 =	vld [tilespmem:s2+$0xFFFFFFC0]  }
0xee: {  	v19 =	vld [tilespmem:s3+$0x2810]  }
0xef: {  	v20 =	vld [tilespmem:s3+$0x20]  }
0xf0: {  	v21 =	vld [tilespmem:s3+$0x2820]  }
0xf1: {  	v54 =	vld [tilespmem:s3+$0x2830];
	v16 =	vadd.f32 v17, v16  }
0xf2: {  	v22 =	vld [tilespmem:s3+$0x30]  }
0xf3: {  	v55 =	vld [tilespmem:s3+$0x2840];
	v15 =	vadd.f32 v19, v15;
	v16 =	vadd.f32 v18, v16  }
0xf4: {  	v56 =	vld [tilespmem:s3+$0x40]  }
0xf5: {  	v57 =	vld [tilespmem:s3+$0x2850];
	v14 =	vadd.f32 v14, v15;
	v15 =	vadd.f32 v21, v20;
	v16 =	vmax.f32 v16, $0.0e+00  }
0xf6: {  	v58 =	vld [tilespmem:s3+$0x50];
	v16 =	vmul.f32 v16, v4  }
0xf7: {  	v59 =	vld [tilespmem:s3+$0x2860];
	v14 =	vmax.f32 v14, $0.0e+00;
	v13 =	vadd.f32 v13, v15;
	v15 =	vadd.f32 v54, v22  }
0xf8: {  	v60 =	vld [tilespmem:s3+$0x60];
	v14 =	vmul.f32 v14, v5;
	v16 =	vadd.f32 $0.0e+00, v16  }
0xf9: {  	v61 =	vld [tilespmem:s3+$0x2870];
	v18 =	vadd.f32 v55, v56;
	v13 =	vmax.f32 v13, $0.0e+00;
	v15 =	vadd.f32 v9, v15  }
0xfa: {  	v62 =	vld [tilespmem:s3+$0x70];
	v13 =	vmul.f32 v13, v6;
	v14 =	vadd.f32 v14, v16  }
0xfb: {  	v20 =	vadd.f32 v57, v58;
	v18 =	vadd.f32 v10, v18;
	v9 =	vld [tilespmem:$0x7D00];
	v15 =	vmax.f32 v15, $0.0e+00  }
0xfc: {  	v13 =	vadd.f32 v13, v14;
	v14 =	vmul.f32 v15, v7;
	v15 =	vld [tilespmem:s2+$0x30]  }
0xfd: {  	v17 =	vadd.f32 v59, v60;
	v10 =	vld [tilespmem:$0x7D80];
	v20 =	vadd.f32 v11, v20;
	v18 =	vmax.f32 v18, $0.0e+00  }
0xfe: {  	v13 =	vadd.f32 v14, v13;
	v14 =	vmul.f32 v18, v8  }
0xff: {  	v12 =	vadd.f32 v12, v17;
	v11 =	vld [tilespmem:$0x7E00];
	v63 =	vmax.f32 v20, $0.0e+00;
	v16 =	vadd.f32 v61, v62  }
0x100: {  	v13 =	vadd.f32 v14, v13;
	v14 =	vmul.f32 v63, v9  }
0x101: {  	v12 =	vmax.f32 v12, $0.0e+00;
	v15 =	vadd.f32 v15, v16  }
0x102: {  	v12 =	vmul.f32 v12, v10;
	v13 =	vadd.f32 v14, v13  }
0x103: {  	v14 =	vmax.f32 v15, $0.0e+00  }
0x104: {  	v12 =	vadd.f32 v12, v13;
	v13 =	vmul.f32 v14, v11;
	_ =	sdelay $0x1  }
0x105: {  	v12 =	vadd.f32 v13, v12;
	_ =	sdelay $0x1  }
0x106: {  	[tilespmem:$0x7F00] =	vst v12  }
0x107: {  	v13 =	vld [tilespmem:$0x7F08];
	_ =	sdelay $0x4  }
0x108: {  	v12 =	vadd.f32 v12, v13;
	_ =	sdelay $0x1  }
0x109: {  	(v2sf) =	vpush v12, $0x0  }
0x10a: {  	(v2sf) =	vpush v12, $0x1;
	_ =	sdelay $0x1  }
0x10b: {  	(v2sf) =	vpush v12, $0x2;
	_ =	sdelay $0x1  }
0x10c: {  	(v2sf) =	vpush v12, $0x3;
	_ =	sdelay $0x1  }
0x10d: {  	(v2sf) =	vpush v12, $0x4;
	_ =	sdelay $0x1  }
0x10e: {  	(v2sf) =	vpush v12, $0x5;
	_ =	sdelay $0x1  }
0x10f: {  	(v2sf) =	vpush v12, $0x6;
	_ =	sdelay $0x1  }
0x110: {  	(v2sf) =	vpush v12, $0x7;
	_ =	sdelay $0x1  }
0x111: {  	s24 =	spop (v2sf)  }
0x112: {  	s17 =	spop (v2sf)  }
0x113: {  	s16 =	sadd.f32 s17, s24  }
0x114: {  	s25 =	spop (v2sf)  }
0x115: {  	s16 =	sadd.f32 s16, s25  }
0x116: {  	s26 =	spop (v2sf)  }
0x117: {  	s16 =	sadd.f32 s16, s26  }
0x118: {  	s22 =	spop (v2sf)  }
0x119: {  	s16 =	sadd.f32 s16, s22  }
0x11a: {  	s24 =	spop (v2sf)  }
0x11b: {  	s16 =	sadd.f32 s16, s24  }
0x11c: {  	v12 =	vld [tilespmem:$0x7E80];
	s25 =	spop (v2sf)  }
0x11d: {  	s16 =	sadd.f32 s16, s25  }
0x11e: {  	s26 =	spop (v2sf)  }
0x11f: {  	s16 =	sadd.f32 s16, s26;
	_ =	sdelay $0x1  }
0x120: {  	v13 =	vadd.f32 s16, v12;
	_ =	sdelay $0x1  }
0x121: {  	v13 =	vsub.f32 $0.0e+00, v13;
	_ =	sdelay $0x1  }
0x122: {  	v13 =	vmul.f32 $1.442695020e+00, v13;
	_ =	sdelay $0x1  }
0x123: {  	(erf) = vpow2.f32 v13;
	_ =	sdelay $0x8  }
0x124: {  	v13 =	vpop (erf)  }
0x125: {  	v13 =	vadd.f32 $1.000000000e+00, v13;
	_ =	sdelay $0x1  }
0x126: {  	(erf) = vrcp.f32 v13;
	_ =	sdelay $0x1  }
0x127: {  	v14 =	vld [tilespmem:s3+$0x400]  }
0x128: {  	v13 =	vld [tilespmem:s3+$0x2C00];
	_ =	sdelay $0x4  }
0x129: {  	v14 =	vadd.f32 v13, v14  }
0x12a: {  	v13 =	vpop (erf)  }
0x12b: {  	v14 =	vmul.f32 v13, v14  }
0x12c: {  	s16 =	simm.s32 $0x6440  }
0x12d: {  	[tilespmem:s16+$0xFFFFFFC0] =	vst v14  }
0x12e: {  	v14 =	vld [tilespmem:s3+$0x410]  }
0x12f: {  	v15 =	vld [tilespmem:s3+$0x2C10];
	_ =	sdelay $0x4  }
0x130: {  	v14 =	vadd.f32 v15, v14;
	_ =	sdelay $0x1  }
0x131: {  	v14 =	vmul.f32 v13, v14;
	_ =	sdelay $0x1  }
0x132: {  	[tilespmem:s16+$0xFFFFFFD0] =	vst v14  }
0x133: {  	v14 =	vld [tilespmem:s3+$0x420]  }
0x134: {  	v15 =	vld [tilespmem:s3+$0x2C20];
	_ =	sdelay $0x4  }
0x135: {  	v14 =	vadd.f32 v15, v14;
	_ =	sdelay $0x1  }
0x136: {  	v14 =	vmul.f32 v13, v14;
	_ =	sdelay $0x1  }
0x137: {  	[tilespmem:s16+$0xFFFFFFE0] =	vst v14  }
0x138: {  	v14 =	vld [tilespmem:s3+$0x430]  }
0x139: {  	v15 =	vld [tilespmem:s3+$0x2C30];
	_ =	sdelay $0x4  }
0x13a: {  	v14 =	vadd.f32 v15, v14;
	_ =	sdelay $0x1  }
0x13b: {  	v14 =	vmul.f32 v13, v14;
	_ =	sdelay $0x1  }
0x13c: {  	[tilespmem:s16+$0xFFFFFFF0] =	vst v14  }
0x13d: {  	v14 =	vld [tilespmem:s3+$0x440]  }
0x13e: {  	v15 =	vld [tilespmem:s3+$0x2C40];
	_ =	sdelay $0x4  }
0x13f: {  	v14 =	vadd.f32 v15, v14;
	_ =	sdelay $0x1  }
0x140: {  	v14 =	vmul.f32 v13, v14;
	_ =	sdelay $0x1  }
0x141: {  	[tilespmem:s16+$0x0] =	vst v14  }
0x142: {  	v14 =	vld [tilespmem:s3+$0x450]  }
0x143: {  	v15 =	vld [tilespmem:s3+$0x2C50];
	_ =	sdelay $0x4  }
0x144: {  	v14 =	vadd.f32 v15, v14;
	_ =	sdelay $0x1  }
0x145: {  	v14 =	vmul.f32 v13, v14;
	_ =	sdelay $0x1  }
0x146: {  	[tilespmem:s16+$0x10] =	vst v14  }
0x147: {  	v14 =	vld [tilespmem:s3+$0x460]  }
0x148: {  	v15 =	vld [tilespmem:s3+$0x2C60];
	_ =	sdelay $0x4  }
0x149: {  	v14 =	vadd.f32 v15, v14;
	_ =	sdelay $0x1  }
0x14a: {  	v14 =	vmul.f32 v14, v13;
	_ =	sdelay $0x1  }
0x14b: {  	s17 =	simm.s32 $0x6440;
	s22 =	simm.s32 $0x100;
	s24 =	simm.s32 $0x0;
	[tilespmem:s16+$0x20] =	vst v14  }
.LBB2_5:
0x14c: {  	v14 =	vld [tilespmem:s3+$0x470];
	s24 =	sadd.s32 $0x80, s24;
	s16 =	sadd.s32 $0x80, s16;
	s2 =	sadd.s32 $0x80, s2  }
0x14d: {  	p2 =	sne.s32 s22, $0x2700;
	v15 =	vld [tilespmem:s3+$0x2C70];
	s3 =	smov.u32 s22;
	s22 =	sadd.s32 $0x100, s22  }
0x14e: {  	_ =	sdelay $0x3  }
0x14f: {  	v14 =	vadd.f32 v15, v14;
	_ =	sdelay $0x1  }
0x150: {  	v13 =	vmul.f32 v14, v13;
	_ =	sdelay $0x1  }
0x151: {  	[tilespmem:s17+$0x30] =	vst v13;
	s17 =	smov.u32 s16  }
0x152: {  	v13 =	vld [tilespmem:s2+$0x20]  }
0x153: {  	v14 =	vld [tilespmem:s2+$0x10]  }
0x154: {  	v15 =	vld [tilespmem:s2+$0x0]  }
0x155: {  	v16 =	vld [tilespmem:s2+$0xFFFFFFF0]  }
0x156: {  	s25 =	sand.u32 $0x380, s24;
	s3 =	sand.u32 $0x3800, s3;
	v17 =	vld [tilespmem:s2+$0xFFFFFFE0]  }
0x157: {  	s3 =	sor.u32 s25, s3;
	v18 =	vld [tilespmem:s2+$0xFFFFFFD0]  }
0x158: {  	v19 =	vld [tilespmem:s3+$0x10]  }
0x159: {  	v20 =	vld [tilespmem:s3+$0x0]  }
0x15a: {  	v21 =	vld [tilespmem:s3+$0x2800]  }
0x15b: {  	v22 =	vld [tilespmem:s2+$0xFFFFFFC0]  }
0x15c: {  	v23 =	vld [tilespmem:s3+$0x2810]  }
0x15d: {  	v24 =	vld [tilespmem:s3+$0x20]  }
0x15e: {  	v25 =	vld [tilespmem:s3+$0x2820]  }
0x15f: {  	v20 =	vadd.f32 v21, v20;
	v21 =	vld [tilespmem:s3+$0x2830]  }
0x160: {  	v26 =	vld [tilespmem:s3+$0x30]  }
0x161: {  	v20 =	vadd.f32 v22, v20;
	v19 =	vadd.f32 v23, v19;
	v22 =	vld [tilespmem:s3+$0x2840]  }
0x162: {  	v23 =	vld [tilespmem:s3+$0x40]  }
0x163: {  	v20 =	vmax.f32 v20, $0.0e+00;
	v18 =	vadd.f32 v18, v19;
	v19 =	vadd.f32 v25, v24;
	v24 =	vld [tilespmem:s3+$0x2850]  }
0x164: {  	v20 =	vmul.f32 v20, v4;
	v25 =	vld [tilespmem:s3+$0x50]  }
0x165: {  	v18 =	vmax.f32 v18, $0.0e+00;
	v17 =	vadd.f32 v17, v19;
	v19 =	vadd.f32 v21, v26;
	v21 =	vld [tilespmem:s3+$0x2860]  }
0x166: {  	v20 =	vadd.f32 $0.0e+00, v20;
	v18 =	vmul.f32 v18, v5;
	v26 =	vld [tilespmem:s3+$0x60]  }
0x167: {  	v17 =	vmax.f32 v17, $0.0e+00;
	v16 =	vadd.f32 v16, v19;
	v19 =	vadd.f32 v22, v23;
	v22 =	vld [tilespmem:s3+$0x2870]  }
0x168: {  	v18 =	vadd.f32 v18, v20;
	v17 =	vmul.f32 v17, v6;
	v20 =	vld [tilespmem:s3+$0x70]  }
0x169: {  	v16 =	vmax.f32 v16, $0.0e+00;
	v15 =	vadd.f32 v15, v19;
	v19 =	vadd.f32 v24, v25  }
0x16a: {  	v17 =	vadd.f32 v17, v18;
	v16 =	vmul.f32 v16, v7;
	v18 =	vld [tilespmem:s2+$0x30]  }
0x16b: {  	v15 =	vmax.f32 v15, $0.0e+00;
	v14 =	vadd.f32 v14, v19;
	v19 =	vadd.f32 v21, v26  }
0x16c: {  	v16 =	vadd.f32 v16, v17;
	v15 =	vmul.f32 v15, v8  }
0x16d: {  	v14 =	vmax.f32 v14, $0.0e+00;
	v13 =	vadd.f32 v13, v19;
	v17 =	vadd.f32 v22, v20  }
0x16e: {  	v15 =	vadd.f32 v15, v16;
	v14 =	vmul.f32 v14, v9  }
0x16f: {  	v13 =	vmax.f32 v13, $0.0e+00;
	v16 =	vadd.f32 v18, v17  }
0x170: {  	v14 =	vadd.f32 v14, v15;
	v13 =	vmul.f32 v13, v10  }
0x171: {  	v15 =	vmax.f32 v16, $0.0e+00  }
0x172: {  	v13 =	vadd.f32 v13, v14;
	v14 =	vmul.f32 v15, v11;
	_ =	sdelay $0x1  }
0x173: {  	v13 =	vadd.f32 v14, v13;
	_ =	sdelay $0x1  }
0x174: {  	[tilespmem:$0x7F00] =	vst v13  }
0x175: {  	v14 =	vld [tilespmem:$0x7F08];
	_ =	sdelay $0x4  }
0x176: {  	v13 =	vadd.f32 v13, v14;
	_ =	sdelay $0x1  }
0x177: {  	(v2sf) =	vpush v13, $0x0  }
0x178: {  	(v2sf) =	vpush v13, $0x1;
	_ =	sdelay $0x1  }
0x179: {  	(v2sf) =	vpush v13, $0x2;
	_ =	sdelay $0x1  }
0x17a: {  	(v2sf) =	vpush v13, $0x3;
	_ =	sdelay $0x1  }
0x17b: {  	(v2sf) =	vpush v13, $0x4;
	_ =	sdelay $0x1  }
0x17c: {  	(v2sf) =	vpush v13, $0x5;
	_ =	sdelay $0x1  }
0x17d: {  	(v2sf) =	vpush v13, $0x6;
	_ =	sdelay $0x1  }
0x17e: {  	(v2sf) =	vpush v13, $0x7;
	_ =	sdelay $0x1  }
0x17f: {  	s25 =	spop (v2sf)  }
0x180: {  	s26 =	spop (v2sf)  }
0x181: {  	s25 =	sadd.f32 s26, s25  }
0x182: {  	s26 =	spop (v2sf)  }
0x183: {  	s25 =	sadd.f32 s25, s26  }
0x184: {  	s26 =	spop (v2sf)  }
0x185: {  	s25 =	sadd.f32 s25, s26  }
0x186: {  	s26 =	spop (v2sf)  }
0x187: {  	s25 =	sadd.f32 s25, s26  }
0x188: {  	s26 =	spop (v2sf)  }
0x189: {  	s25 =	sadd.f32 s25, s26  }
0x18a: {  	s26 =	spop (v2sf)  }
0x18b: {  	s25 =	sadd.f32 s25, s26  }
0x18c: {  	s26 =	spop (v2sf)  }
0x18d: {  	s25 =	sadd.f32 s25, s26;
	_ =	sdelay $0x1  }
0x18e: {  	v13 =	vadd.f32 s25, v12;
	_ =	sdelay $0x1  }
0x18f: {  	v13 =	vsub.f32 $0.0e+00, v13;
	_ =	sdelay $0x1  }
0x190: {  	v13 =	vmul.f32 $1.442695020e+00, v13;
	_ =	sdelay $0x1  }
0x191: {  	(erf) = vpow2.f32 v13;
	_ =	sdelay $0x8  }
0x192: {  	v13 =	vpop (erf)  }
0x193: {  	v13 =	vadd.f32 $1.000000000e+00, v13;
	_ =	sdelay $0x1  }
0x194: {  	(erf) = vrcp.f32 v13;
	_ =	sdelay $0x1  }
0x195: {  	v13 =	vld [tilespmem:s3+$0x2C00]  }
0x196: {  	v14 =	vld [tilespmem:s3+$0x400];
	_ =	sdelay $0x4  }
0x197: {  	v14 =	vadd.f32 v13, v14  }
0x198: {  	v13 =	vpop (erf)  }
0x199: {  	v14 =	vmul.f32 v13, v14;
	_ =	sdelay $0x1  }
0x19a: {  	[tilespmem:s16+$0xFFFFFFC0] =	vst v14  }
0x19b: {  	v14 =	vld [tilespmem:s3+$0x410]  }
0x19c: {  	v15 =	vld [tilespmem:s3+$0x2C10];
	_ =	sdelay $0x4  }
0x19d: {  	v14 =	vadd.f32 v15, v14;
	_ =	sdelay $0x1  }
0x19e: {  	v14 =	vmul.f32 v13, v14;
	_ =	sdelay $0x1  }
0x19f: {  	[tilespmem:s16+$0xFFFFFFD0] =	vst v14  }
0x1a0: {  	v14 =	vld [tilespmem:s3+$0x420]  }
0x1a1: {  	v15 =	vld [tilespmem:s3+$0x2C20];
	_ =	sdelay $0x4  }
0x1a2: {  	v14 =	vadd.f32 v15, v14;
	_ =	sdelay $0x1  }
0x1a3: {  	v14 =	vmul.f32 v13, v14;
	_ =	sdelay $0x1  }
0x1a4: {  	[tilespmem:s16+$0xFFFFFFE0] =	vst v14  }
0x1a5: {  	v14 =	vld [tilespmem:s3+$0x430]  }
0x1a6: {  	v15 =	vld [tilespmem:s3+$0x2C30];
	_ =	sdelay $0x4  }
0x1a7: {  	v14 =	vadd.f32 v15, v14;
	_ =	sdelay $0x1  }
0x1a8: {  	v14 =	vmul.f32 v13, v14;
	_ =	sdelay $0x1  }
0x1a9: {  	[tilespmem:s16+$0xFFFFFFF0] =	vst v14  }
0x1aa: {  	v14 =	vld [tilespmem:s3+$0x440]  }
0x1ab: {  	v15 =	vld [tilespmem:s3+$0x2C40];
	_ =	sdelay $0x4  }
0x1ac: {  	v14 =	vadd.f32 v15, v14;
	_ =	sdelay $0x1  }
0x1ad: {  	v14 =	vmul.f32 v13, v14;
	_ =	sdelay $0x1  }
0x1ae: {  	[tilespmem:s16+$0x0] =	vst v14  }
0x1af: {  	v14 =	vld [tilespmem:s3+$0x450]  }
0x1b0: {  	v15 =	vld [tilespmem:s3+$0x2C50];
	_ =	sdelay $0x4  }
0x1b1: {  	v14 =	vadd.f32 v15, v14;
	_ =	sdelay $0x1  }
0x1b2: {  	v14 =	vmul.f32 v13, v14;
	_ =	sdelay $0x1  }
0x1b3: {  	[tilespmem:s16+$0x10] =	vst v14  }
0x1b4: {  	v14 =	vld [tilespmem:s3+$0x460]  }
0x1b5: {  	v15 =	vld [tilespmem:s3+$0x2C60];
	_ =	sdelay $0x4  }
.Ltmp1:
0x1b6: {  	v14 =	vadd.f32 v15, v14;
	(pc) =	sbr.rel @p2 .LBB2_5-.Ltmp1, $3  }
0x1b7: {  	_ = 	snop  }
0x1b8: {  	v14 =	vmul.f32 v14, v13;
	_ =	sdelay $0x1  }
0x1b9: {  	[tilespmem:s16+$0x20] =	vst v14  }
0x1ba: {  	v4 =	vld [tilespmem:s3+$0x470]  }
0x1bb: {  	v5 =	vld [tilespmem:s3+$0x2C70];
	_ =	sdelay $0x4  }
0x1bc: {  	v4 =	vadd.f32 v5, v4;
	_ =	sdelay $0x1  }
0x1bd: {  	s1 =	sadd.s32 $0x1, s1;
	v4 =	vmul.f32 v4, v13  }
0x1be: {  	p2 =	sne.s32 s1, $0xFA  }
.Ltmp2:
0x1bf: {  	s2 =	rddreg [dreg:$0x3];
	[tilespmem:s17+$0x30] =	vst v4;
	(pc) =	sbr.rel @p2 .LBB2_4-.Ltmp2, $4  }
0x1c0: {  	[spmem:s2] =	stream.indirect.scatter.add.f32 [tilespmem:s15], [sflag:$0x3], $0x80, s19, s20, $0xb8;
	[tilespmem:$0x1B800] =	vst v63  }
0x1c1: {  	_ =	swait.ge [sflag:s13], $0x1400  }
0x1c2: {  	[sflag:s13] =	ssyncset.done $0x0  }
0x1c3: {  	[sflag:s13] =	ssyncadd.s32 $0xFFFFEC00  }
0x1c4: {  	[bflag:$0x0] =	sbarrier.arrive $0xFFFF  }
0x1c5: {  	s14 =	rddreg [dreg:$0x7]  }
0x1c6: {  	s2 =	simm.s32 @p1 $0x1FC3;
	s3 =	rddreg [dreg:$0x10];
	s1 =	sshrl.u32 @p1 s14, $0x3  }
0x1c7: {  	[hbm:s3], [sflag:s2] =	dma.local @p1 [spmem:s1], $0x2800  }
0x1c8: {  	s1 =	simm.s32 @p1 $0x3  }
0x1c9: {  	s2 =	stileid.u32;
	_ =	swait.ge @p1 [sflag:s1], $0x2800  }
0x1ca: {  	s2 =	sshll.u32 @!p1 s2, $0x6;
	[sflag:s1] =	ssyncset.done @p1 $0x0;
	s3 =	rddreg [dreg:$0xe]  }
0x1cb: {  	[sflag:s1] =	ssyncadd.s32 @p1 $0xFFFFD800;
	s1 =	sor.u32 @!p1 $0x1C03, s2;
	s2 =	sshrl.u32 @!p1 s14, $0x3  }
0x1cc: {  	[hbm:s3], [sflag:s1] =	dma.local @!p1 [spmem:s2], $0x2700  }
0x1cd: {  	s1 =	simm.s32 @!p1 $0x3  }
0x1ce: {  	_ =	swait.ge @!p1 [sflag:s1], $0x2700  }
0x1cf: {  	s25 =	rddreg [dreg:$0x1b]  }
0x1d0: {  	s26 =	rddreg [dreg:$0x11];
	s3 =	sadd.s32 $0x1, s25  }
0x1d1: {  	p2 =	sne.s32 s3, s26  }
.Ltmp3:
0x1d2: {  	_ = 	snop;
	(pc) =	sbr.rel @p2 .LBB2_1-.Ltmp3, $3  }
0x1d3: {  	_ =	sdelay $0x1  }
0x1d4: {  	[sflag:s1] =	ssyncset.done @!p1 $0x0  }
0x1d5: {  	[sflag:s1] =	ssyncadd.s32 @!p1 $0xFFFFD900  }
0x1d6: {  	_ =	sfence.sel $0x180000  }
0x1d7: {  	[bflag:$0x0] =	sbarrier.arrive $0xFFFF  }
0x1d8: {  	_ =	strace $0x90000047  }
0x1d9: {  	s0 =	stileid.u32;
	[bflag:$0x2] =	sbarrier.arrive $0xFFFF  }
0x1da: {  	p0 =	sne.s32 s0, $0x0;
	s0 =	rddreg [dreg:$0x4]  }
0x1db: {  	s0 =	sadd.s32 @!p0 $0x100000, s0  }
0x1dc: {  	[sflag:s0] =	ssyncadd.tile.s32 @!p0 $0x1;
	_ =	shalt  }
.Lfunc_end2:
_tile_overlayer_lowered:
.L_overlay_start_2:
0x1dd: {  	(tag) =	ssettag $0x2  }
0x1de: {  	s0 =	rddreg [dreg:$0x0];
	s2 =	stileid.u32  }
0x1df: {  	s1 =	rddreg [dreg:$0x1];
	p0 =	sne.s32 s2, $0x0  }
0x1e0: {  	s3 =	rddreg [dreg:$0x2];
	[bflag:$0x3] =	sbarrier.arrive $0xFFFF;
	s2 =	simm.s32 @!p0 $0x1C03  }
0x1e1: {  	[timem:s3], [sflag:s2] =	dma.local @!p0 [hbm:s0], s1  }
0x1e2: {  	s0 =	simm.s32 @!p0 $0x3  }
0x1e3: {  	_ =	swait.ge @!p0 [sflag:s0], s1  }
0x1e4: {  	s1 =	ssub.s32 @!p0 $0x0, s1;
	[sflag:s0] =	ssyncset.done @!p0 $0x0  }
0x1e5: {  	[sflag:s0] =	ssyncadd.s32 @!p0 s1  }
0x1e6: {  	[bflag:$0x3] =	sbarrier.arrive $0xFFFF  }
0x1e7: {  	_ =	shalt  }

</sc_bundles>
